<compile_context>
chip_gen: v7x
topology: tpu7x:2x2x1
jax: 0.10.2.dev20260603
libtpu: 0.0.44.dev20260713+nightly
codegen_flags: <defaults>
</compile_context>

<pallas_src>
import jax
import jax.numpy as jnp
from jax import lax
from jax.experimental import pallas as pl
from jax.experimental.pallas import tpu as pltpu
from jax.experimental.pallas import tpu_sc as plsc

B = 4096
EMB = 128
T_LEN = 50
G_LEN = 20
HID = 1024
NC = 2
NS = 16
NW = NC * NS
BPW = B // NW
BB = 2048

def _sc_pool_body(titleT, tagsT, ch_ids, cat_ids,
                  title_tab, tags_tab, ch_tab, cat_tab,
                  outT, outG, outC, outK,
                  idxT, idxG, idxC, idxK,
                  accT, accG, rowsC, rowsK,
                  semT, semG, semC, semK, semI, semO):
    wid = lax.axis_index("s") * NC + lax.axis_index("c")
    base = wid * BPW

    cpiC = pltpu.async_copy(ch_ids.at[pl.ds(base, BPW)], idxC, semI)
    cpiK = pltpu.async_copy(cat_ids.at[pl.ds(base, BPW)], idxK, semI)
    cpiT = pltpu.async_copy(titleT.at[wid], idxT, semI)
    cpiG = pltpu.async_copy(tagsT.at[wid], idxG, semI)

    zero = jnp.zeros((16,), jnp.float32)

    def zrow(j, c):
        for k in range(EMB // 16):
            accT[j, pl.ds(k * 16, 16)] = zero
            accG[j, pl.ds(k * 16, 16)] = zero
        return c

    lax.fori_loop(0, BPW, zrow, 0)

    cpiC.wait()
    cpC = pltpu.async_copy(ch_tab.at[idxC], rowsC, semC)
    cpiK.wait()
    cpK = pltpu.async_copy(cat_tab.at[idxK], rowsK, semK)

    cpiT.wait()

    def fireT(t, c):
        pltpu.async_copy(title_tab.at[idxT.at[t]], accT, semT, add=True)
        return c

    lax.fori_loop(0, T_LEN, fireT, 0)
    cpiG.wait()

    def fireG(t, c):
        pltpu.async_copy(tags_tab.at[idxG.at[t]], accG, semG, add=True)
        return c

    lax.fori_loop(0, G_LEN, fireG, 0)

    cpC.wait()
    oC = pltpu.async_copy(rowsC, outC.at[pl.ds(base, BPW)], semO)
    cpK.wait()
    oK = pltpu.async_copy(rowsK, outK.at[pl.ds(base, BPW)], semO)

    def drainT(t, c):
        pltpu.make_async_copy(title_tab.at[idxT.at[0]], accT, semT).wait()
        return c

    lax.fori_loop(0, T_LEN, drainT, 0)
    oT = pltpu.async_copy(accT, outT.at[pl.ds(base, BPW)], semO)

    def drainG(t, c):
        pltpu.make_async_copy(tags_tab.at[idxG.at[0]], accG, semG).wait()
        return c

    lax.fori_loop(0, G_LEN, drainG, 0)
    oG = pltpu.async_copy(accG, outG.at[pl.ds(base, BPW)], semO)
    oC.wait()
    oK.wait()
    oT.wait()
    oG.wait()


_sc_pool = pl.kernel(
    _sc_pool_body,
    out_type=[jax.ShapeDtypeStruct((B, EMB), jnp.float32)] * 4,
    mesh=plsc.VectorSubcoreMesh(core_axis_name="c", subcore_axis_name="s"),
    scratch_types=[
        pltpu.VMEM((T_LEN, BPW), jnp.int32),
        pltpu.VMEM((G_LEN, BPW), jnp.int32),
        pltpu.VMEM((BPW,), jnp.int32),
        pltpu.VMEM((BPW,), jnp.int32),
        pltpu.VMEM((BPW, EMB), jnp.float32),
        pltpu.VMEM((BPW, EMB), jnp.float32),
        pltpu.VMEM((BPW, EMB), jnp.float32),
        pltpu.VMEM((BPW, EMB), jnp.float32),
        pltpu.SemaphoreType.DMA,
        pltpu.SemaphoreType.DMA,
        pltpu.SemaphoreType.DMA,
        pltpu.SemaphoreType.DMA,
        pltpu.SemaphoreType.DMA,
        pltpu.SemaphoreType.DMA,
    ],
)


def _mlp_body(sumT, sumG, rowC, rowK, lenT, lenG, xnum, W1m, W1n, b1, W2,
              b2, out):
    invT = 1.0 / jnp.maximum(lenT[...], 1.0)
    invG = 1.0 / jnp.maximum(lenG[...], 1.0)
    x = jnp.concatenate(
        [sumT[...] * invT, sumG[...] * invG, rowC[...], rowK[...]],
        axis=1).astype(jnp.bfloat16)
    h = jnp.dot(x, W1m[...], preferred_element_type=jnp.float32)
    xn = xnum[...]
    h += xn[:, 0:1] * W1n[0:1, :] + xn[:, 1:2] * W1n[1:2, :]
    h = jnp.maximum(h + b1[...], 0.0)
    out[...] = (jnp.dot(h, W2[...], preferred_element_type=jnp.float32)
                + b2[...])[:, 0]


_mlp = pl.pallas_call(
    _mlp_body,
    grid=(B // BB,),
    in_specs=[
        pl.BlockSpec((BB, EMB), lambda i: (i, 0)),
        pl.BlockSpec((BB, EMB), lambda i: (i, 0)),
        pl.BlockSpec((BB, EMB), lambda i: (i, 0)),
        pl.BlockSpec((BB, EMB), lambda i: (i, 0)),
        pl.BlockSpec((BB, 1), lambda i: (i, 0)),
        pl.BlockSpec((BB, 1), lambda i: (i, 0)),
        pl.BlockSpec((BB, 2), lambda i: (i, 0)),
        pl.BlockSpec((4 * EMB, HID), lambda i: (0, 0)),
        pl.BlockSpec((2, HID), lambda i: (0, 0)),
        pl.BlockSpec((1, HID), lambda i: (0, 0)),
        pl.BlockSpec((HID, 1), lambda i: (0, 0)),
        pl.BlockSpec((1, 1), lambda i: (0, 0)),
    ],
    out_specs=pl.BlockSpec((BB,), lambda i: (i,)),
    out_shape=jax.ShapeDtypeStruct((B,), jnp.float32),
)


def kernel(title_ids, title_len, tags_ids, tags_len, ch_id, cat_id, x_num,
           title_table, tags_table, ch_table, cat_table, W1, b1, W2, b2):
    titleT = title_ids.T.reshape(T_LEN, NW, BPW).transpose(1, 0, 2)
    tagsT = tags_ids.T.reshape(G_LEN, NW, BPW).transpose(1, 0, 2)

    sumT, sumG, rowC, rowK = _sc_pool(
        titleT, tagsT, ch_id, cat_id,
        title_table, tags_table, ch_table, cat_table)

    lenT = title_len.astype(jnp.float32).reshape(B, 1)
    lenG = tags_len.astype(jnp.float32).reshape(B, 1)
    W1m = W1[:4 * EMB].astype(jnp.bfloat16)
    W1n = W1[4 * EMB:]
    b1r = b1.reshape(1, HID)
    b2r = b2.reshape(1, 1)
    return _mlp(sumT, sumG, rowC, rowK, lenT, lenG, x_num,
                W1m, W1n, b1r, W2, b2r)

# --- scband reference (transcript-rebuilt; emitter-appended) ---
"""Pipeline reference for scband-you-tube-regressor-9216999818019 (READ-ONLY COPY).

The authoritative reference and input builder live on the scoring server;
editing this copy changes nothing except your own understanding.
"""

import jax, jax.numpy as jnp
import numpy as np

PAD = 0
B = 4096
VOCAB = 100000
EMB = 128
N_CH = 10000
N_CAT = 32
N_NUM = 2
HID = 1024
T_LEN = 50
G_LEN = 20


def setup_inputs(seed: int = 0) -> dict:
    key = jax.random.key(seed)
    ks = jax.random.split(key, 16)
    title_ids = jax.random.randint(ks[0], (B, T_LEN), 0, VOCAB)
    title_len = jax.random.randint(ks[1], (B,), 0, T_LEN)
    tags_ids = jax.random.randint(ks[2], (B, G_LEN), 0, VOCAB)
    tags_len = jax.random.randint(ks[3], (B,), 0, G_LEN)
    ch_id = jax.random.randint(ks[4], (B,), 0, N_CH)
    cat_id = jax.random.randint(ks[5], (B,), 0, N_CAT)
    x_num = jax.random.normal(ks[6], (B, N_NUM), dtype=jnp.float32)
    title_table = (jax.random.normal(ks[7], (VOCAB, EMB), dtype=jnp.float32) * 0.02).at[PAD].set(0.0)
    tags_table = (jax.random.normal(ks[8], (VOCAB, EMB), dtype=jnp.float32) * 0.02).at[PAD].set(0.0)
    ch_table = (jax.random.normal(ks[9], (N_CH, EMB), dtype=jnp.float32) * 0.02).at[0].set(0.0)
    cat_table = (jax.random.normal(ks[10], (N_CAT, EMB), dtype=jnp.float32) * 0.02).at[0].set(0.0)
    W1 = jax.random.normal(ks[11], (EMB * 4 + N_NUM, HID), dtype=jnp.float32) * 0.02
    b1 = jnp.zeros((HID,), dtype=jnp.float32)
    W2 = jax.random.normal(ks[12], (HID, 1), dtype=jnp.float32) * 0.02
    b2 = jnp.zeros((1,), dtype=jnp.float32)
    return {
        'title_ids': title_ids, 'title_len': title_len,
        'tags_ids': tags_ids, 'tags_len': tags_len,
        'ch_id': ch_id, 'cat_id': cat_id, 'x_num': x_num,
        'title_table': title_table, 'tags_table': tags_table,
        'ch_table': ch_table, 'cat_table': cat_table,
        'W1': W1, 'b1': b1, 'W2': W2, 'b2': b2,
    }


def _mean_pool(table, ids, lengths):
    E = jnp.take(table, ids, axis=0)
    mask = (ids != PAD)[..., None].astype(E.dtype)
    summed = (E * mask).sum(axis=1)
    denom = jnp.clip(lengths, 1, None)[:, None].astype(jnp.float32)
    return summed / denom


def reference(title_ids, title_len, tags_ids, tags_len, ch_id, cat_id, x_num,
              title_table, tags_table, ch_table, cat_table, W1, b1, W2, b2):
    title_vec = _mean_pool(title_table, title_ids, title_len)
    tags_vec = _mean_pool(tags_table, tags_ids, tags_len)
    ch_vec = jnp.take(ch_table, ch_id, axis=0)
    cat_vec = jnp.take(cat_table, cat_id, axis=0)
    x = jnp.concatenate([title_vec, tags_vec, ch_vec, cat_vec, x_num], axis=1)
    h = jnp.maximum(x @ W1 + b1, 0.0)
    out = h @ W2 + b2
    return out[:, 0]

if __name__ == "__main__":
    import jax
    _d = setup_inputs()
    print(jax.jit(kernel)(*tuple(_d.values())))

</pallas_src>

<mosaic_0001>
#map = affine_map<(d0, d1) -> (0, 0, 0)>
#map1 = affine_map<(d0, d1) -> (0)>
#map2 = affine_map<(d0, d1) -> (0, 0)>
module attributes {stable_mosaic.version = 14 : i64} {
  func.func @_sc_pool_body(%arg0: i32, %arg1: i32, %arg2: memref<32x50x128xi32, #tpu.memory_space<hbm>>, %arg3: memref<32x20x128xi32, #tpu.memory_space<hbm>>, %arg4: memref<4096xi32, #tpu.memory_space<hbm>>, %arg5: memref<4096xi32, #tpu.memory_space<hbm>>, %arg6: memref<100000x128xf32, #tpu.memory_space<hbm>>, %arg7: memref<100000x128xf32, #tpu.memory_space<hbm>>, %arg8: memref<10000x128xf32, #tpu.memory_space<hbm>>, %arg9: memref<32x128xf32, #tpu.memory_space<hbm>>, %arg10: memref<4096x128xf32, #tpu.memory_space<hbm>>, %arg11: memref<4096x128xf32, #tpu.memory_space<hbm>>, %arg12: memref<4096x128xf32, #tpu.memory_space<hbm>>, %arg13: memref<4096x128xf32, #tpu.memory_space<hbm>>, %arg14: memref<50x128xi32, #tpu.memory_space<vmem>>, %arg15: memref<20x128xi32, #tpu.memory_space<vmem>>, %arg16: memref<128xi32, #tpu.memory_space<vmem>>, %arg17: memref<128xi32, #tpu.memory_space<vmem>>, %arg18: memref<128x128xf32, #tpu.memory_space<vmem>>, %arg19: memref<128x128xf32, #tpu.memory_space<vmem>>, %arg20: memref<128x128xf32, #tpu.memory_space<vmem>>, %arg21: memref<128x128xf32, #tpu.memory_space<vmem>>, %arg22: memref<!tpu.dma_semaphore, #tpu.memory_space<semaphore_mem>>, %arg23: memref<!tpu.dma_semaphore, #tpu.memory_space<semaphore_mem>>, %arg24: memref<!tpu.dma_semaphore, #tpu.memory_space<semaphore_mem>>, %arg25: memref<!tpu.dma_semaphore, #tpu.memory_space<semaphore_mem>>, %arg26: memref<!tpu.dma_semaphore, #tpu.memory_space<semaphore_mem>>, %arg27: memref<!tpu.dma_semaphore, #tpu.memory_space<semaphore_mem>>) attributes {dimension_semantics = [#tpu.dimension_semantics<core_parallel>, #tpu.dimension_semantics<subcore_parallel>], iteration_bounds = array<i64: 2, 16>, scalar_prefetch = 0 : i64, scratch_operands = 14 : i64, tpu.core_type = #tpu.core_type<sc_vector_subcore>, window_params = [{transform_indices = #map}, {transform_indices = #map}, {transform_indices = #map1}, {transform_indices = #map1}, {transform_indices = #map2}, {transform_indices = #map2}, {transform_indices = #map2}, {transform_indices = #map2}, {transform_indices = #map2}, {transform_indices = #map2}, {transform_indices = #map2}, {transform_indices = #map2}]} {
    %mul3A = arith.constant 2 : i32
    %mul3A_0 = arith.muli %arg1, %mul3A : i32
    %add3A = arith.addi %mul3A_0, %arg0 : i32
    %mul3A_1 = arith.constant 128 : i32
    %mul3A_2 = arith.muli %add3A, %mul3A_1 : i32
    %dma_start3A = tpu.memref_slice %arg4[%mul3A_2] : memref<4096xi32, #tpu.memory_space<hbm>> -> memref<128xi32, #tpu.memory_space<hbm>>
    %dma_start3A_3 = tpu.memref_slice %arg4[%mul3A_2] : memref<4096xi32, #tpu.memory_space<hbm>> -> memref<128xi32, #tpu.memory_space<hbm>>
    tpu.enqueue_dma source(%dma_start3A_3 : memref<128xi32, #tpu.memory_space<hbm>>) target(%arg16 : memref<128xi32, #tpu.memory_space<vmem>>) target_semaphore(%arg26 : memref<!tpu.dma_semaphore, #tpu.memory_space<semaphore_mem>>)
    %dma_start3A_4 = tpu.memref_slice %arg5[%mul3A_2] : memref<4096xi32, #tpu.memory_space<hbm>> -> memref<128xi32, #tpu.memory_space<hbm>>
    %dma_start3A_5 = tpu.memref_slice %arg5[%mul3A_2] : memref<4096xi32, #tpu.memory_space<hbm>> -> memref<128xi32, #tpu.memory_space<hbm>>
    tpu.enqueue_dma source(%dma_start3A_5 : memref<128xi32, #tpu.memory_space<hbm>>) target(%arg17 : memref<128xi32, #tpu.memory_space<vmem>>) target_semaphore(%arg26 : memref<!tpu.dma_semaphore, #tpu.memory_space<semaphore_mem>>)
    %dma_start3A_6 = arith.constant 0 : i32
    %dma_start3A_7 = arith.constant 0 : i32
    %dma_start3A_8 = tpu.memref_slice %arg2[%add3A, %dma_start3A_6, %dma_start3A_7] : memref<32x50x128xi32, #tpu.memory_space<hbm>> -> memref<1x50x128xi32, #tpu.memory_space<hbm>>
    %dma_start3A_9 = tpu.memref_squeeze %dma_start3A_8 : memref<1x50x128xi32, #tpu.memory_space<hbm>> -> memref<50x128xi32, #tpu.memory_space<hbm>>
    %dma_start3A_10 = arith.constant 0 : i32
    %dma_start3A_11 = arith.constant 0 : i32
    %dma_start3A_12 = tpu.memref_slice %arg2[%add3A, %dma_start3A_10, %dma_start3A_11] : memref<32x50x128xi32, #tpu.memory_space<hbm>> -> memref<1x50x128xi32, #tpu.memory_space<hbm>>
    %dma_start3A_13 = tpu.memref_squeeze %dma_start3A_12 : memref<1x50x128xi32, #tpu.memory_space<hbm>> -> memref<50x128xi32, #tpu.memory_space<hbm>>
    tpu.enqueue_dma source(%dma_start3A_13 : memref<50x128xi32, #tpu.memory_space<hbm>>) target(%arg14 : memref<50x128xi32, #tpu.memory_space<vmem>>) target_semaphore(%arg26 : memref<!tpu.dma_semaphore, #tpu.memory_space<semaphore_mem>>)
    %dma_start3A_14 = arith.constant 0 : i32
    %dma_start3A_15 = arith.constant 0 : i32
    %dma_start3A_16 = tpu.memref_slice %arg3[%add3A, %dma_start3A_14, %dma_start3A_15] : memref<32x20x128xi32, #tpu.memory_space<hbm>> -> memref<1x20x128xi32, #tpu.memory_space<hbm>>
    %dma_start3A_17 = tpu.memref_squeeze %dma_start3A_16 : memref<1x20x128xi32, #tpu.memory_space<hbm>> -> memref<20x128xi32, #tpu.memory_space<hbm>>
    %dma_start3A_18 = arith.constant 0 : i32
    %dma_start3A_19 = arith.constant 0 : i32
    %dma_start3A_20 = tpu.memref_slice %arg3[%add3A, %dma_start3A_18, %dma_start3A_19] : memref<32x20x128xi32, #tpu.memory_space<hbm>> -> memref<1x20x128xi32, #tpu.memory_space<hbm>>
    %dma_start3A_21 = tpu.memref_squeeze %dma_start3A_20 : memref<1x20x128xi32, #tpu.memory_space<hbm>> -> memref<20x128xi32, #tpu.memory_space<hbm>>
    tpu.enqueue_dma source(%dma_start3A_21 : memref<20x128xi32, #tpu.memory_space<hbm>>) target(%arg15 : memref<20x128xi32, #tpu.memory_space<vmem>>) target_semaphore(%arg26 : memref<!tpu.dma_semaphore, #tpu.memory_space<semaphore_mem>>)
    %broadcast_in_dim3A = arith.constant 0.000000e+00 : f32
    %broadcast_in_dim3A_22 = vector.broadcast %broadcast_in_dim3A : f32 to vector<16xf32>
    %scan3A = arith.constant 0 : i32
    %scan3A_23 = arith.constant 0 : i32
    %scan3A_24 = arith.constant 128 : i32
    %scan3A_25 = arith.addi %scan3A_23, %scan3A_24 : i32
    %scan3A_26 = arith.constant 1 : i32
    scf.for %scan3A_115 = %scan3A_23 to %scan3A_25 step %scan3A_26  : i32 {
      %swap3A = arith.index_cast %scan3A_115 : i32 to index
      %swap3A_116 = arith.constant 0 : index
      %swap3A_117 = tpu.vector_load %arg18[%swap3A, %swap3A_116] {strides = array<i32>} : memref<128x128xf32, #tpu.memory_space<vmem>>, vector<1x16xf32>,
      %swap3A_118 = vector.shape_cast %swap3A_117 : vector<1x16xf32> to vector<16xf32>
      %swap3A_119 = vector.shape_cast %broadcast_in_dim3A_22 : vector<16xf32> to vector<1x16xf32>
      tpu.vector_store %arg18[%swap3A, %swap3A_116], %swap3A_119 {strides = array<i32>} : memref<128x128xf32, #tpu.memory_space<vmem>>, vector<1x16xf32>,
      %swap3A_120 = arith.index_cast %scan3A_115 : i32 to index
      %swap3A_121 = arith.constant 0 : index
      %swap3A_122 = tpu.vector_load %arg19[%swap3A_120, %swap3A_121] {strides = array<i32>} : memref<128x128xf32, #tpu.memory_space<vmem>>, vector<1x16xf32>,
      %swap3A_123 = vector.shape_cast %swap3A_122 : vector<1x16xf32> to vector<16xf32>
      %swap3A_124 = vector.shape_cast %broadcast_in_dim3A_22 : vector<16xf32> to vector<1x16xf32>
      tpu.vector_store %arg19[%swap3A_120, %swap3A_121], %swap3A_124 {strides = array<i32>} : memref<128x128xf32, #tpu.memory_space<vmem>>, vector<1x16xf32>,
      %swap3A_125 = arith.index_cast %scan3A_115 : i32 to index
      %swap3A_126 = arith.constant 16 : index
      %swap3A_127 = tpu.vector_load %arg18[%swap3A_125, %swap3A_126] {strides = array<i32>} : memref<128x128xf32, #tpu.memory_space<vmem>>, vector<1x16xf32>,
      %swap3A_128 = vector.shape_cast %swap3A_127 : vector<1x16xf32> to vector<16xf32>
      %swap3A_129 = vector.shape_cast %broadcast_in_dim3A_22 : vector<16xf32> to vector<1x16xf32>
      tpu.vector_store %arg18[%swap3A_125, %swap3A_126], %swap3A_129 {strides = array<i32>} : memref<128x128xf32, #tpu.memory_space<vmem>>, vector<1x16xf32>,
      %swap3A_130 = arith.index_cast %scan3A_115 : i32 to index
      %swap3A_131 = arith.constant 16 : index
      %swap3A_132 = tpu.vector_load %arg19[%swap3A_130, %swap3A_131] {strides = array<i32>} : memref<128x128xf32, #tpu.memory_space<vmem>>, vector<1x16xf32>,
      %swap3A_133 = vector.shape_cast %swap3A_132 : vector<1x16xf32> to vector<16xf32>
      %swap3A_134 = vector.shape_cast %broadcast_in_dim3A_22 : vector<16xf32> to vector<1x16xf32>
      tpu.vector_store %arg19[%swap3A_130, %swap3A_131], %swap3A_134 {strides = array<i32>} : memref<128x128xf32, #tpu.memory_space<vmem>>, vector<1x16xf32>,
      %swap3A_135 = arith.index_cast %scan3A_115 : i32 to index
      %swap3A_136 = arith.constant 32 : index
      %swap3A_137 = tpu.vector_load %arg18[%swap3A_135, %swap3A_136] {strides = array<i32>} : memref<128x128xf32, #tpu.memory_space<vmem>>, vector<1x16xf32>,
      %swap3A_138 = vector.shape_cast %swap3A_137 : vector<1x16xf32> to vector<16xf32>
      %swap3A_139 = vector.shape_cast %broadcast_in_dim3A_22 : vector<16xf32> to vector<1x16xf32>
      tpu.vector_store %arg18[%swap3A_135, %swap3A_136], %swap3A_139 {strides = array<i32>} : memref<128x128xf32, #tpu.memory_space<vmem>>, vector<1x16xf32>,
      %swap3A_140 = arith.index_cast %scan3A_115 : i32 to index
      %swap3A_141 = arith.constant 32 : index
      %swap3A_142 = tpu.vector_load %arg19[%swap3A_140, %swap3A_141] {strides = array<i32>} : memref<128x128xf32, #tpu.memory_space<vmem>>, vector<1x16xf32>,
      %swap3A_143 = vector.shape_cast %swap3A_142 : vector<1x16xf32> to vector<16xf32>
      %swap3A_144 = vector.shape_cast %broadcast_in_dim3A_22 : vector<16xf32> to vector<1x16xf32>
      tpu.vector_store %arg19[%swap3A_140, %swap3A_141], %swap3A_144 {strides = array<i32>} : memref<128x128xf32, #tpu.memory_space<vmem>>, vector<1x16xf32>,
      %swap3A_145 = arith.index_cast %scan3A_115 : i32 to index
      %swap3A_146 = arith.constant 48 : index
      %swap3A_147 = tpu.vector_load %arg18[%swap3A_145, %swap3A_146] {strides = array<i32>} : memref<128x128xf32, #tpu.memory_space<vmem>>, vector<1x16xf32>,
      %swap3A_148 = vector.shape_cast %swap3A_147 : vector<1x16xf32> to vector<16xf32>
      %swap3A_149 = vector.shape_cast %broadcast_in_dim3A_22 : vector<16xf32> to vector<1x16xf32>
      tpu.vector_store %arg18[%swap3A_145, %swap3A_146], %swap3A_149 {strides = array<i32>} : memref<128x128xf32, #tpu.memory_space<vmem>>, vector<1x16xf32>,
      %swap3A_150 = arith.index_cast %scan3A_115 : i32 to index
      %swap3A_151 = arith.constant 48 : index
      %swap3A_152 = tpu.vector_load %arg19[%swap3A_150, %swap3A_151] {strides = array<i32>} : memref<128x128xf32, #tpu.memory_space<vmem>>, vector<1x16xf32>,
      %swap3A_153 = vector.shape_cast %swap3A_152 : vector<1x16xf32> to vector<16xf32>
      %swap3A_154 = vector.shape_cast %broadcast_in_dim3A_22 : vector<16xf32> to vector<1x16xf32>
      tpu.vector_store %arg19[%swap3A_150, %swap3A_151], %swap3A_154 {strides = array<i32>} : memref<128x128xf32, #tpu.memory_space<vmem>>, vector<1x16xf32>,
      %swap3A_155 = arith.index_cast %scan3A_115 : i32 to index
      %swap3A_156 = arith.constant 64 : index
      %swap3A_157 = tpu.vector_load %arg18[%swap3A_155, %swap3A_156] {strides = array<i32>} : memref<128x128xf32, #tpu.memory_space<vmem>>, vector<1x16xf32>,
      %swap3A_158 = vector.shape_cast %swap3A_157 : vector<1x16xf32> to vector<16xf32>
      %swap3A_159 = vector.shape_cast %broadcast_in_dim3A_22 : vector<16xf32> to vector<1x16xf32>
      tpu.vector_store %arg18[%swap3A_155, %swap3A_156], %swap3A_159 {strides = array<i32>} : memref<128x128xf32, #tpu.memory_space<vmem>>, vector<1x16xf32>,
      %swap3A_160 = arith.index_cast %scan3A_115 : i32 to index
      %swap3A_161 = arith.constant 64 : index
      %swap3A_162 = tpu.vector_load %arg19[%swap3A_160, %swap3A_161] {strides = array<i32>} : memref<128x128xf32, #tpu.memory_space<vmem>>, vector<1x16xf32>,
      %swap3A_163 = vector.shape_cast %swap3A_162 : vector<1x16xf32> to vector<16xf32>
      %swap3A_164 = vector.shape_cast %broadcast_in_dim3A_22 : vector<16xf32> to vector<1x16xf32>
      tpu.vector_store %arg19[%swap3A_160, %swap3A_161], %swap3A_164 {strides = array<i32>} : memref<128x128xf32, #tpu.memory_space<vmem>>, vector<1x16xf32>,
      %swap3A_165 = arith.index_cast %scan3A_115 : i32 to index
      %swap3A_166 = arith.constant 80 : index
      %swap3A_167 = tpu.vector_load %arg18[%swap3A_165, %swap3A_166] {strides = array<i32>} : memref<128x128xf32, #tpu.memory_space<vmem>>, vector<1x16xf32>,
      %swap3A_168 = vector.shape_cast %swap3A_167 : vector<1x16xf32> to vector<16xf32>
      %swap3A_169 = vector.shape_cast %broadcast_in_dim3A_22 : vector<16xf32> to vector<1x16xf32>
      tpu.vector_store %arg18[%swap3A_165, %swap3A_166], %swap3A_169 {strides = array<i32>} : memref<128x128xf32, #tpu.memory_space<vmem>>, vector<1x16xf32>,
      %swap3A_170 = arith.index_cast %scan3A_115 : i32 to index
      %swap3A_171 = arith.constant 80 : index
      %swap3A_172 = tpu.vector_load %arg19[%swap3A_170, %swap3A_171] {strides = array<i32>} : memref<128x128xf32, #tpu.memory_space<vmem>>, vector<1x16xf32>,
      %swap3A_173 = vector.shape_cast %swap3A_172 : vector<1x16xf32> to vector<16xf32>
      %swap3A_174 = vector.shape_cast %broadcast_in_dim3A_22 : vector<16xf32> to vector<1x16xf32>
      tpu.vector_store %arg19[%swap3A_170, %swap3A_171], %swap3A_174 {strides = array<i32>} : memref<128x128xf32, #tpu.memory_space<vmem>>, vector<1x16xf32>,
      %swap3A_175 = arith.index_cast %scan3A_115 : i32 to index
      %swap3A_176 = arith.constant 96 : index
      %swap3A_177 = tpu.vector_load %arg18[%swap3A_175, %swap3A_176] {strides = array<i32>} : memref<128x128xf32, #tpu.memory_space<vmem>>, vector<1x16xf32>,
      %swap3A_178 = vector.shape_cast %swap3A_177 : vector<1x16xf32> to vector<16xf32>
      %swap3A_179 = vector.shape_cast %broadcast_in_dim3A_22 : vector<16xf32> to vector<1x16xf32>
      tpu.vector_store %arg18[%swap3A_175, %swap3A_176], %swap3A_179 {strides = array<i32>} : memref<128x128xf32, #tpu.memory_space<vmem>>, vector<1x16xf32>,
      %swap3A_180 = arith.index_cast %scan3A_115 : i32 to index
      %swap3A_181 = arith.constant 96 : index
      %swap3A_182 = tpu.vector_load %arg19[%swap3A_180, %swap3A_181] {strides = array<i32>} : memref<128x128xf32, #tpu.memory_space<vmem>>, vector<1x16xf32>,
      %swap3A_183 = vector.shape_cast %swap3A_182 : vector<1x16xf32> to vector<16xf32>
      %swap3A_184 = vector.shape_cast %broadcast_in_dim3A_22 : vector<16xf32> to vector<1x16xf32>
      tpu.vector_store %arg19[%swap3A_180, %swap3A_181], %swap3A_184 {strides = array<i32>} : memref<128x128xf32, #tpu.memory_space<vmem>>, vector<1x16xf32>,
      %swap3A_185 = arith.index_cast %scan3A_115 : i32 to index
      %swap3A_186 = arith.constant 112 : index
      %swap3A_187 = tpu.vector_load %arg18[%swap3A_185, %swap3A_186] {strides = array<i32>} : memref<128x128xf32, #tpu.memory_space<vmem>>, vector<1x16xf32>,
      %swap3A_188 = vector.shape_cast %swap3A_187 : vector<1x16xf32> to vector<16xf32>
      %swap3A_189 = vector.shape_cast %broadcast_in_dim3A_22 : vector<16xf32> to vector<1x16xf32>
      tpu.vector_store %arg18[%swap3A_185, %swap3A_186], %swap3A_189 {strides = array<i32>} : memref<128x128xf32, #tpu.memory_space<vmem>>, vector<1x16xf32>,
      %swap3A_190 = arith.index_cast %scan3A_115 : i32 to index
      %swap3A_191 = arith.constant 112 : index
      %swap3A_192 = tpu.vector_load %arg19[%swap3A_190, %swap3A_191] {strides = array<i32>} : memref<128x128xf32, #tpu.memory_space<vmem>>, vector<1x16xf32>,
      %swap3A_193 = vector.shape_cast %swap3A_192 : vector<1x16xf32> to vector<16xf32>
      %swap3A_194 = vector.shape_cast %broadcast_in_dim3A_22 : vector<16xf32> to vector<1x16xf32>
      tpu.vector_store %arg19[%swap3A_190, %swap3A_191], %swap3A_194 {strides = array<i32>} : memref<128x128xf32, #tpu.memory_space<vmem>>, vector<1x16xf32>,
    }
    %scan3A_27 = arith.constant 128 : i32
    %dma_wait3A = tpu.memref_slice %arg4[%mul3A_2] : memref<4096xi32, #tpu.memory_space<hbm>> -> memref<128xi32, #tpu.memory_space<hbm>>
    %dma_wait3A_28 = tpu.memref_slice %arg4[%mul3A_2] : memref<4096xi32, #tpu.memory_space<hbm>> -> memref<128xi32, #tpu.memory_space<hbm>>
    tpu.wait_dma2 semaphore(%arg26 : memref<!tpu.dma_semaphore, #tpu.memory_space<semaphore_mem>>) src(%dma_wait3A_28 : memref<128xi32, #tpu.memory_space<hbm>>) dst(%arg16 : memref<128xi32, #tpu.memory_space<vmem>>)
    %dma_start3A_29 = arith.constant 0 : i32
    %dma_start3A_30 = arith.constant 0 : i32
    %dma_start3A_31 = tpu.memref_slice %arg8[%dma_start3A_29, %dma_start3A_30] : memref<10000x128xf32, #tpu.memory_space<hbm>> -> memref<10000x128xf32, #tpu.memory_space<hbm>>
    tpu.enqueue_indirect_dma source(%dma_start3A_31 : memref<10000x128xf32, #tpu.memory_space<hbm>>) target(%arg20 : memref<128x128xf32, #tpu.memory_space<vmem>>) offsets(%arg16 : memref<128xi32, #tpu.memory_space<vmem>>) semaphore(%arg24 : memref<!tpu.dma_semaphore, #tpu.memory_space<semaphore_mem>>)
    %dma_wait3A_32 = tpu.memref_slice %arg5[%mul3A_2] : memref<4096xi32, #tpu.memory_space<hbm>> -> memref<128xi32, #tpu.memory_space<hbm>>
    %dma_wait3A_33 = tpu.memref_slice %arg5[%mul3A_2] : memref<4096xi32, #tpu.memory_space<hbm>> -> memref<128xi32, #tpu.memory_space<hbm>>
    tpu.wait_dma2 semaphore(%arg26 : memref<!tpu.dma_semaphore, #tpu.memory_space<semaphore_mem>>) src(%dma_wait3A_33 : memref<128xi32, #tpu.memory_space<hbm>>) dst(%arg17 : memref<128xi32, #tpu.memory_space<vmem>>)
    %dma_start3A_34 = arith.constant 0 : i32
    %dma_start3A_35 = arith.constant 0 : i32
    %dma_start3A_36 = tpu.memref_slice %arg9[%dma_start3A_34, %dma_start3A_35] : memref<32x128xf32, #tpu.memory_space<hbm>> -> memref<32x128xf32, #tpu.memory_space<hbm>>
    tpu.enqueue_indirect_dma source(%dma_start3A_36 : memref<32x128xf32, #tpu.memory_space<hbm>>) target(%arg21 : memref<128x128xf32, #tpu.memory_space<vmem>>) offsets(%arg17 : memref<128xi32, #tpu.memory_space<vmem>>) semaphore(%arg25 : memref<!tpu.dma_semaphore, #tpu.memory_space<semaphore_mem>>)
    %dma_wait3A_37 = arith.constant 0 : i32
    %dma_wait3A_38 = arith.constant 0 : i32
    %dma_wait3A_39 = tpu.memref_slice %arg2[%add3A, %dma_wait3A_37, %dma_wait3A_38] : memref<32x50x128xi32, #tpu.memory_space<hbm>> -> memref<1x50x128xi32, #tpu.memory_space<hbm>>
    %dma_wait3A_40 = tpu.memref_squeeze %dma_wait3A_39 : memref<1x50x128xi32, #tpu.memory_space<hbm>> -> memref<50x128xi32, #tpu.memory_space<hbm>>
    %dma_wait3A_41 = arith.constant 0 : i32
    %dma_wait3A_42 = arith.constant 0 : i32
    %dma_wait3A_43 = tpu.memref_slice %arg2[%add3A, %dma_wait3A_41, %dma_wait3A_42] : memref<32x50x128xi32, #tpu.memory_space<hbm>> -> memref<1x50x128xi32, #tpu.memory_space<hbm>>
    %dma_wait3A_44 = tpu.memref_squeeze %dma_wait3A_43 : memref<1x50x128xi32, #tpu.memory_space<hbm>> -> memref<50x128xi32, #tpu.memory_space<hbm>>
    tpu.wait_dma2 semaphore(%arg26 : memref<!tpu.dma_semaphore, #tpu.memory_space<semaphore_mem>>) src(%dma_wait3A_44 : memref<50x128xi32, #tpu.memory_space<hbm>>) dst(%arg14 : memref<50x128xi32, #tpu.memory_space<vmem>>)
    %scan3A_45 = arith.constant 0 : i32
    %scan3A_46 = arith.constant 0 : i32
    %scan3A_47 = arith.constant 50 : i32
    %scan3A_48 = arith.addi %scan3A_46, %scan3A_47 : i32
    %scan3A_49 = arith.constant 1 : i32
    scf.for %scan3A_115 = %scan3A_46 to %scan3A_48 step %scan3A_49  : i32 {
      %dma_start3A_116 = arith.constant 0 : i32
      %dma_start3A_117 = tpu.memref_slice %arg14[%scan3A_115, %dma_start3A_116] : memref<50x128xi32, #tpu.memory_space<vmem>> -> memref<1x128xi32, #tpu.memory_space<vmem>>
      %dma_start3A_118 = tpu.memref_squeeze %dma_start3A_117 : memref<1x128xi32, #tpu.memory_space<vmem>> -> memref<128xi32, #tpu.memory_space<vmem>>
      %dma_start3A_119 = arith.constant 0 : i32
      %dma_start3A_120 = arith.constant 0 : i32
      %dma_start3A_121 = tpu.memref_slice %arg6[%dma_start3A_119, %dma_start3A_120] : memref<100000x128xf32, #tpu.memory_space<hbm>> -> memref<100000x128xf32, #tpu.memory_space<hbm>>
      tpu.enqueue_indirect_dma source(%dma_start3A_121 : memref<100000x128xf32, #tpu.memory_space<hbm>>) target(%arg18 : memref<128x128xf32, #tpu.memory_space<vmem>>) offsets(%dma_start3A_118 : memref<128xi32, #tpu.memory_space<vmem>>) semaphore(%arg22 : memref<!tpu.dma_semaphore, #tpu.memory_space<semaphore_mem>>) {add = true}
    }
    %scan3A_50 = arith.constant 50 : i32
    %dma_wait3A_51 = arith.constant 0 : i32
    %dma_wait3A_52 = arith.constant 0 : i32
    %dma_wait3A_53 = tpu.memref_slice %arg3[%add3A, %dma_wait3A_51, %dma_wait3A_52] : memref<32x20x128xi32, #tpu.memory_space<hbm>> -> memref<1x20x128xi32, #tpu.memory_space<hbm>>
    %dma_wait3A_54 = tpu.memref_squeeze %dma_wait3A_53 : memref<1x20x128xi32, #tpu.memory_space<hbm>> -> memref<20x128xi32, #tpu.memory_space<hbm>>
    %dma_wait3A_55 = arith.constant 0 : i32
    %dma_wait3A_56 = arith.constant 0 : i32
    %dma_wait3A_57 = tpu.memref_slice %arg3[%add3A, %dma_wait3A_55, %dma_wait3A_56] : memref<32x20x128xi32, #tpu.memory_space<hbm>> -> memref<1x20x128xi32, #tpu.memory_space<hbm>>
    %dma_wait3A_58 = tpu.memref_squeeze %dma_wait3A_57 : memref<1x20x128xi32, #tpu.memory_space<hbm>> -> memref<20x128xi32, #tpu.memory_space<hbm>>
    tpu.wait_dma2 semaphore(%arg26 : memref<!tpu.dma_semaphore, #tpu.memory_space<semaphore_mem>>) src(%dma_wait3A_58 : memref<20x128xi32, #tpu.memory_space<hbm>>) dst(%arg15 : memref<20x128xi32, #tpu.memory_space<vmem>>)
    %scan3A_59 = arith.constant 0 : i32
    %scan3A_60 = arith.constant 0 : i32
    %scan3A_61 = arith.constant 20 : i32
    %scan3A_62 = arith.addi %scan3A_60, %scan3A_61 : i32
    %scan3A_63 = arith.constant 1 : i32
    scf.for %scan3A_115 = %scan3A_60 to %scan3A_62 step %scan3A_63  : i32 {
      %dma_start3A_116 = arith.constant 0 : i32
      %dma_start3A_117 = tpu.memref_slice %arg15[%scan3A_115, %dma_start3A_116] : memref<20x128xi32, #tpu.memory_space<vmem>> -> memref<1x128xi32, #tpu.memory_space<vmem>>
      %dma_start3A_118 = tpu.memref_squeeze %dma_start3A_117 : memref<1x128xi32, #tpu.memory_space<vmem>> -> memref<128xi32, #tpu.memory_space<vmem>>
      %dma_start3A_119 = arith.constant 0 : i32
      %dma_start3A_120 = arith.constant 0 : i32
      %dma_start3A_121 = tpu.memref_slice %arg7[%dma_start3A_119, %dma_start3A_120] : memref<100000x128xf32, #tpu.memory_space<hbm>> -> memref<100000x128xf32, #tpu.memory_space<hbm>>
      tpu.enqueue_indirect_dma source(%dma_start3A_121 : memref<100000x128xf32, #tpu.memory_space<hbm>>) target(%arg19 : memref<128x128xf32, #tpu.memory_space<vmem>>) offsets(%dma_start3A_118 : memref<128xi32, #tpu.memory_space<vmem>>) semaphore(%arg23 : memref<!tpu.dma_semaphore, #tpu.memory_space<semaphore_mem>>) {add = true}
    }
    %scan3A_64 = arith.constant 20 : i32
    %dma_wait3A_65 = arith.constant 0 : i32
    %dma_wait3A_66 = arith.constant 0 : i32
    %dma_wait3A_67 = tpu.memref_slice %arg8[%dma_wait3A_65, %dma_wait3A_66] : memref<10000x128xf32, #tpu.memory_space<hbm>> -> memref<10000x128xf32, #tpu.memory_space<hbm>>
    tpu.wait_indirect_dma semaphore(%arg24 : memref<!tpu.dma_semaphore, #tpu.memory_space<semaphore_mem>>) src(%dma_wait3A_67 : memref<10000x128xf32, #tpu.memory_space<hbm>>) dst(%arg20 : memref<128x128xf32, #tpu.memory_space<vmem>>)
    %dma_start3A_68 = arith.constant 0 : i32
    %dma_start3A_69 = tpu.memref_slice %arg12[%mul3A_2, %dma_start3A_68] : memref<4096x128xf32, #tpu.memory_space<hbm>> -> memref<128x128xf32, #tpu.memory_space<hbm>>
    %dma_start3A_70 = arith.constant 0 : i32
    %dma_start3A_71 = tpu.memref_slice %arg12[%mul3A_2, %dma_start3A_70] : memref<4096x128xf32, #tpu.memory_space<hbm>> -> memref<128x128xf32, #tpu.memory_space<hbm>>
    tpu.enqueue_dma source(%arg20 : memref<128x128xf32, #tpu.memory_space<vmem>>) target(%dma_start3A_71 : memref<128x128xf32, #tpu.memory_space<hbm>>) target_semaphore(%arg27 : memref<!tpu.dma_semaphore, #tpu.memory_space<semaphore_mem>>)
    %dma_wait3A_72 = arith.constant 0 : i32
    %dma_wait3A_73 = arith.constant 0 : i32
    %dma_wait3A_74 = tpu.memref_slice %arg9[%dma_wait3A_72, %dma_wait3A_73] : memref<32x128xf32, #tpu.memory_space<hbm>> -> memref<32x128xf32, #tpu.memory_space<hbm>>
    tpu.wait_indirect_dma semaphore(%arg25 : memref<!tpu.dma_semaphore, #tpu.memory_space<semaphore_mem>>) src(%dma_wait3A_74 : memref<32x128xf32, #tpu.memory_space<hbm>>) dst(%arg21 : memref<128x128xf32, #tpu.memory_space<vmem>>)
    %dma_start3A_75 = arith.constant 0 : i32
    %dma_start3A_76 = tpu.memref_slice %arg13[%mul3A_2, %dma_start3A_75] : memref<4096x128xf32, #tpu.memory_space<hbm>> -> memref<128x128xf32, #tpu.memory_space<hbm>>
    %dma_start3A_77 = arith.constant 0 : i32
    %dma_start3A_78 = tpu.memref_slice %arg13[%mul3A_2, %dma_start3A_77] : memref<4096x128xf32, #tpu.memory_space<hbm>> -> memref<128x128xf32, #tpu.memory_space<hbm>>
    tpu.enqueue_dma source(%arg21 : memref<128x128xf32, #tpu.memory_space<vmem>>) target(%dma_start3A_78 : memref<128x128xf32, #tpu.memory_space<hbm>>) target_semaphore(%arg27 : memref<!tpu.dma_semaphore, #tpu.memory_space<semaphore_mem>>)
    %scan3A_79 = arith.constant 0 : i32
    %scan3A_80 = arith.constant 0 : i32
    %scan3A_81 = arith.constant 50 : i32
    %scan3A_82 = arith.addi %scan3A_80, %scan3A_81 : i32
    %scan3A_83 = arith.constant 1 : i32
    scf.for %scan3A_115 = %scan3A_80 to %scan3A_82 step %scan3A_83  : i32 {
      %dma_wait3A_116 = arith.constant 0 : i32
      %dma_wait3A_117 = arith.constant 0 : i32
      %dma_wait3A_118 = tpu.memref_slice %arg14[%dma_wait3A_116, %dma_wait3A_117] : memref<50x128xi32, #tpu.memory_space<vmem>> -> memref<1x128xi32, #tpu.memory_space<vmem>>
      %dma_wait3A_119 = tpu.memref_squeeze %dma_wait3A_118 : memref<1x128xi32, #tpu.memory_space<vmem>> -> memref<128xi32, #tpu.memory_space<vmem>>
      %dma_wait3A_120 = arith.constant 0 : i32
      %dma_wait3A_121 = arith.constant 0 : i32
      %dma_wait3A_122 = tpu.memref_slice %arg6[%dma_wait3A_120, %dma_wait3A_121] : memref<100000x128xf32, #tpu.memory_space<hbm>> -> memref<100000x128xf32, #tpu.memory_space<hbm>>
      tpu.wait_indirect_dma semaphore(%arg22 : memref<!tpu.dma_semaphore, #tpu.memory_space<semaphore_mem>>) src(%dma_wait3A_122 : memref<100000x128xf32, #tpu.memory_space<hbm>>) dst(%arg18 : memref<128x128xf32, #tpu.memory_space<vmem>>)
    }
    %scan3A_84 = arith.constant 50 : i32
    %dma_start3A_85 = arith.constant 0 : i32
    %dma_start3A_86 = tpu.memref_slice %arg10[%mul3A_2, %dma_start3A_85] : memref<4096x128xf32, #tpu.memory_space<hbm>> -> memref<128x128xf32, #tpu.memory_space<hbm>>
    %dma_start3A_87 = arith.constant 0 : i32
    %dma_start3A_88 = tpu.memref_slice %arg10[%mul3A_2, %dma_start3A_87] : memref<4096x128xf32, #tpu.memory_space<hbm>> -> memref<128x128xf32, #tpu.memory_space<hbm>>
    tpu.enqueue_dma source(%arg18 : memref<128x128xf32, #tpu.memory_space<vmem>>) target(%dma_start3A_88 : memref<128x128xf32, #tpu.memory_space<hbm>>) target_semaphore(%arg27 : memref<!tpu.dma_semaphore, #tpu.memory_space<semaphore_mem>>)
    %scan3A_89 = arith.constant 0 : i32
    %scan3A_90 = arith.constant 0 : i32
    %scan3A_91 = arith.constant 20 : i32
    %scan3A_92 = arith.addi %scan3A_90, %scan3A_91 : i32
    %scan3A_93 = arith.constant 1 : i32
    scf.for %scan3A_115 = %scan3A_90 to %scan3A_92 step %scan3A_93  : i32 {
      %dma_wait3A_116 = arith.constant 0 : i32
      %dma_wait3A_117 = arith.constant 0 : i32
      %dma_wait3A_118 = tpu.memref_slice %arg15[%dma_wait3A_116, %dma_wait3A_117] : memref<20x128xi32, #tpu.memory_space<vmem>> -> memref<1x128xi32, #tpu.memory_space<vmem>>
      %dma_wait3A_119 = tpu.memref_squeeze %dma_wait3A_118 : memref<1x128xi32, #tpu.memory_space<vmem>> -> memref<128xi32, #tpu.memory_space<vmem>>
      %dma_wait3A_120 = arith.constant 0 : i32
      %dma_wait3A_121 = arith.constant 0 : i32
      %dma_wait3A_122 = tpu.memref_slice %arg7[%dma_wait3A_120, %dma_wait3A_121] : memref<100000x128xf32, #tpu.memory_space<hbm>> -> memref<100000x128xf32, #tpu.memory_space<hbm>>
      tpu.wait_indirect_dma semaphore(%arg23 : memref<!tpu.dma_semaphore, #tpu.memory_space<semaphore_mem>>) src(%dma_wait3A_122 : memref<100000x128xf32, #tpu.memory_space<hbm>>) dst(%arg19 : memref<128x128xf32, #tpu.memory_space<vmem>>)
    }
    %scan3A_94 = arith.constant 20 : i32
    %dma_start3A_95 = arith.constant 0 : i32
    %dma_start3A_96 = tpu.memref_slice %arg11[%mul3A_2, %dma_start3A_95] : memref<4096x128xf32, #tpu.memory_space<hbm>> -> memref<128x128xf32, #tpu.memory_space<hbm>>
    %dma_start3A_97 = arith.constant 0 : i32
    %dma_start3A_98 = tpu.memref_slice %arg11[%mul3A_2, %dma_start3A_97] : memref<4096x128xf32, #tpu.memory_space<hbm>> -> memref<128x128xf32, #tpu.memory_space<hbm>>
    tpu.enqueue_dma source(%arg19 : memref<128x128xf32, #tpu.memory_space<vmem>>) target(%dma_start3A_98 : memref<128x128xf32, #tpu.memory_space<hbm>>) target_semaphore(%arg27 : memref<!tpu.dma_semaphore, #tpu.memory_space<semaphore_mem>>)
    %dma_wait3A_99 = arith.constant 0 : i32
    %dma_wait3A_100 = tpu.memref_slice %arg12[%mul3A_2, %dma_wait3A_99] : memref<4096x128xf32, #tpu.memory_space<hbm>> -> memref<128x128xf32, #tpu.memory_space<hbm>>
    %dma_wait3A_101 = arith.constant 0 : i32
    %dma_wait3A_102 = tpu.memref_slice %arg12[%mul3A_2, %dma_wait3A_101] : memref<4096x128xf32, #tpu.memory_space<hbm>> -> memref<128x128xf32, #tpu.memory_space<hbm>>
    tpu.wait_dma2 semaphore(%arg27 : memref<!tpu.dma_semaphore, #tpu.memory_space<semaphore_mem>>) src(%arg20 : memref<128x128xf32, #tpu.memory_space<vmem>>) dst(%dma_wait3A_102 : memref<128x128xf32, #tpu.memory_space<hbm>>)
    %dma_wait3A_103 = arith.constant 0 : i32
    %dma_wait3A_104 = tpu.memref_slice %arg13[%mul3A_2, %dma_wait3A_103] : memref<4096x128xf32, #tpu.memory_space<hbm>> -> memref<128x128xf32, #tpu.memory_space<hbm>>
    %dma_wait3A_105 = arith.constant 0 : i32
    %dma_wait3A_106 = tpu.memref_slice %arg13[%mul3A_2, %dma_wait3A_105] : memref<4096x128xf32, #tpu.memory_space<hbm>> -> memref<128x128xf32, #tpu.memory_space<hbm>>
    tpu.wait_dma2 semaphore(%arg27 : memref<!tpu.dma_semaphore, #tpu.memory_space<semaphore_mem>>) src(%arg21 : memref<128x128xf32, #tpu.memory_space<vmem>>) dst(%dma_wait3A_106 : memref<128x128xf32, #tpu.memory_space<hbm>>)
    %dma_wait3A_107 = arith.constant 0 : i32
    %dma_wait3A_108 = tpu.memref_slice %arg10[%mul3A_2, %dma_wait3A_107] : memref<4096x128xf32, #tpu.memory_space<hbm>> -> memref<128x128xf32, #tpu.memory_space<hbm>>
    %dma_wait3A_109 = arith.constant 0 : i32
    %dma_wait3A_110 = tpu.memref_slice %arg10[%mul3A_2, %dma_wait3A_109] : memref<4096x128xf32, #tpu.memory_space<hbm>> -> memref<128x128xf32, #tpu.memory_space<hbm>>
    tpu.wait_dma2 semaphore(%arg27 : memref<!tpu.dma_semaphore, #tpu.memory_space<semaphore_mem>>) src(%arg18 : memref<128x128xf32, #tpu.memory_space<vmem>>) dst(%dma_wait3A_110 : memref<128x128xf32, #tpu.memory_space<hbm>>)
    %dma_wait3A_111 = arith.constant 0 : i32
    %dma_wait3A_112 = tpu.memref_slice %arg11[%mul3A_2, %dma_wait3A_111] : memref<4096x128xf32, #tpu.memory_space<hbm>> -> memref<128x128xf32, #tpu.memory_space<hbm>>
    %dma_wait3A_113 = arith.constant 0 : i32
    %dma_wait3A_114 = tpu.memref_slice %arg11[%mul3A_2, %dma_wait3A_113] : memref<4096x128xf32, #tpu.memory_space<hbm>> -> memref<128x128xf32, #tpu.memory_space<hbm>>
    tpu.wait_dma2 semaphore(%arg27 : memref<!tpu.dma_semaphore, #tpu.memory_space<semaphore_mem>>) src(%arg19 : memref<128x128xf32, #tpu.memory_space<vmem>>) dst(%dma_wait3A_114 : memref<128x128xf32, #tpu.memory_space<hbm>>)
    return
  }
}

module attributes {stable_mosaic.version = 14 : i64} {
  func.func @_mlp_body(%arg0: i32, %arg1: memref<2048x128xf32, #tpu.memory_space<vmem>>, %arg2: memref<2048x128xf32, #tpu.memory_space<vmem>>, %arg3: memref<2048x128xf32, #tpu.memory_space<vmem>>, %arg4: memref<2048x128xf32, #tpu.memory_space<vmem>>, %arg5: memref<2048x1xf32, #tpu.memory_space<vmem>>, %arg6: memref<2048x1xf32, #tpu.memory_space<vmem>>, %arg7: memref<2048x2xf32, #tpu.memory_space<vmem>>, %arg8: memref<512x1024xbf16, #tpu.memory_space<vmem>>, %arg9: memref<2x1024xf32, #tpu.memory_space<vmem>>, %arg10: memref<1x1024xf32, #tpu.memory_space<vmem>>, %arg11: memref<1024x1xf32, #tpu.memory_space<vmem>>, %arg12: memref<1x1xf32, #tpu.memory_space<vmem>>, %arg13: memref<2048xf32, #tpu.memory_space<vmem>>) attributes {dimension_semantics = [#tpu.dimension_semantics<arbitrary>], iteration_bounds = array<i64: 2>, scalar_prefetch = 0 : i64, scratch_operands = 0 : i64, tpu.core_type = #tpu.core_type<tc>, window_params = [{transform_indices = @transform_0, window_bounds = array<i64: 2048, 128>}, {transform_indices = @transform_1, window_bounds = array<i64: 2048, 128>}, {transform_indices = @transform_2, window_bounds = array<i64: 2048, 128>}, {transform_indices = @transform_3, window_bounds = array<i64: 2048, 128>}, {transform_indices = @transform_4, window_bounds = array<i64: 2048, 1>}, {transform_indices = @transform_5, window_bounds = array<i64: 2048, 1>}, {transform_indices = @transform_6, window_bounds = array<i64: 2048, 2>}, {pipeline_mode = #tpu.pipeline_mode<synchronous>, transform_indices = @transform_7, window_bounds = array<i64: 512, 1024>}, {pipeline_mode = #tpu.pipeline_mode<synchronous>, transform_indices = @transform_8, window_bounds = array<i64: 2, 1024>}, {pipeline_mode = #tpu.pipeline_mode<synchronous>, transform_indices = @transform_9, window_bounds = array<i64: 1, 1024>}, {pipeline_mode = #tpu.pipeline_mode<synchronous>, transform_indices = @transform_10, window_bounds = array<i64: 1024, 1>}, {pipeline_mode = #tpu.pipeline_mode<synchronous>, transform_indices = @transform_11, window_bounds = array<i64: 1, 1>}, {transform_indices = @transform_12, window_bounds = array<i64: 2048>}]} {
    %get3A = arith.constant 0 : index
    %get3A_0 = arith.constant 0 : index
    %get3A_1 = vector.load %arg5[%get3A, %get3A_0] : memref<2048x1xf32, #tpu.memory_space<vmem>>, vector<2048x1xf32>
    %max3A = arith.constant 1.000000e+00 : f32
    %max3A_2 = vector.broadcast %max3A : f32 to vector<2048x1xf32>
    %max3A_3 = arith.maximumf %get3A_1, %max3A_2 : vector<2048x1xf32>
    %div3A = arith.constant 1.000000e+00 : f32
    %div3A_4 = vector.broadcast %div3A : f32 to vector<2048x1xf32>
    %div3A_5 = arith.divf %div3A_4, %max3A_3 : vector<2048x1xf32>
    %get3A_6 = arith.constant 0 : index
    %get3A_7 = arith.constant 0 : index
    %get3A_8 = vector.load %arg6[%get3A_6, %get3A_7] : memref<2048x1xf32, #tpu.memory_space<vmem>>, vector<2048x1xf32>
    %max3A_9 = arith.constant 1.000000e+00 : f32
    %max3A_10 = vector.broadcast %max3A_9 : f32 to vector<2048x1xf32>
    %max3A_11 = arith.maximumf %get3A_8, %max3A_10 : vector<2048x1xf32>
    %div3A_12 = arith.constant 1.000000e+00 : f32
    %div3A_13 = vector.broadcast %div3A_12 : f32 to vector<2048x1xf32>
    %div3A_14 = arith.divf %div3A_13, %max3A_11 : vector<2048x1xf32>
    %get3A_15 = arith.constant 0 : index
    %get3A_16 = arith.constant 0 : index
    %get3A_17 = vector.load %arg1[%get3A_15, %get3A_16] : memref<2048x128xf32, #tpu.memory_space<vmem>>, vector<2048x128xf32>
    %mul3A = vector.broadcast %div3A_5 : vector<2048x1xf32> to vector<2048x128xf32>
    %mul3A_18 = arith.mulf %get3A_17, %mul3A : vector<2048x128xf32>
    %get3A_19 = arith.constant 0 : index
    %get3A_20 = arith.constant 0 : index
    %get3A_21 = vector.load %arg2[%get3A_19, %get3A_20] : memref<2048x128xf32, #tpu.memory_space<vmem>>, vector<2048x128xf32>
    %mul3A_22 = vector.broadcast %div3A_14 : vector<2048x1xf32> to vector<2048x128xf32>
    %mul3A_23 = arith.mulf %get3A_21, %mul3A_22 : vector<2048x128xf32>
    %get3A_24 = arith.constant 0 : index
    %get3A_25 = arith.constant 0 : index
    %get3A_26 = vector.load %arg3[%get3A_24, %get3A_25] : memref<2048x128xf32, #tpu.memory_space<vmem>>, vector<2048x128xf32>
    %get3A_27 = arith.constant 0 : index
    %get3A_28 = arith.constant 0 : index
    %get3A_29 = vector.load %arg4[%get3A_27, %get3A_28] : memref<2048x128xf32, #tpu.memory_space<vmem>>, vector<2048x128xf32>
    %concatenate3A = tpu.concatenate %mul3A_18, %mul3A_23, %get3A_26, %get3A_29 in 1 : vector<2048x128xf32>, vector<2048x128xf32>, vector<2048x128xf32>, vector<2048x128xf32> -> vector<2048x512xf32>
    %convert_element_type3A = arith.truncf %concatenate3A : vector<2048x512xf32> to vector<2048x512xbf16>
    %get3A_30 = arith.constant 0 : index
    %get3A_31 = arith.constant 0 : index
    %get3A_32 = vector.load %arg8[%get3A_30, %get3A_31] : memref<512x1024xbf16, #tpu.memory_space<vmem>>, vector<512x1024xbf16>
    %dot_general3A = arith.constant dense<0.000000e+00> : vector<2048x1024xf32>
    %dot_general3A_33 = tpu.matmul %convert_element_type3A, %get3A_32, %dot_general3A {dimension_numbers = #tpu.dot_dimension_numbers<[1], [0], [0], [1], [0, 0, 1, 1], [], []>, transpose_lhs_hint = false} : vector<2048x512xbf16>, vector<512x1024xbf16>, vector<2048x1024xf32> -> vector<2048x1024xf32>
    %get3A_34 = arith.constant 0 : index
    %get3A_35 = arith.constant 0 : index
    %get3A_36 = vector.load %arg7[%get3A_34, %get3A_35] : memref<2048x2xf32, #tpu.memory_space<vmem>>, vector<2048x2xf32>
    %slice3A = vector.extract_strided_slice %get3A_36 {offsets = [0, 0], sizes = [2048, 1], strides = [1, 1]} : vector<2048x2xf32> to vector<2048x1xf32>
    %get3A_37 = arith.constant 0 : index
    %get3A_38 = arith.constant 0 : index
    %get3A_39 = vector.load %arg9[%get3A_37, %get3A_38] : memref<2x1024xf32, #tpu.memory_space<vmem>>, vector<1x1024xf32>
    %mul3A_40 = vector.broadcast %slice3A : vector<2048x1xf32> to vector<2048x1024xf32>
    %mul3A_41 = vector.broadcast %get3A_39 : vector<1x1024xf32> to vector<2048x1024xf32>
    %mul3A_42 = arith.mulf %mul3A_40, %mul3A_41 : vector<2048x1024xf32>
    %slice3A_43 = vector.extract_strided_slice %get3A_36 {offsets = [0, 1], sizes = [2048, 1], strides = [1, 1]} : vector<2048x2xf32> to vector<2048x1xf32>
    %get3A_44 = arith.constant 1 : index
    %get3A_45 = arith.constant 0 : index
    %get3A_46 = vector.load %arg9[%get3A_44, %get3A_45] : memref<2x1024xf32, #tpu.memory_space<vmem>>, vector<1x1024xf32>
    %mul3A_47 = vector.broadcast %slice3A_43 : vector<2048x1xf32> to vector<2048x1024xf32>
    %mul3A_48 = vector.broadcast %get3A_46 : vector<1x1024xf32> to vector<2048x1024xf32>
    %mul3A_49 = arith.mulf %mul3A_47, %mul3A_48 : vector<2048x1024xf32>
    %add3A = arith.addf %mul3A_42, %mul3A_49 : vector<2048x1024xf32>
    %add3A_50 = arith.addf %dot_general3A_33, %add3A : vector<2048x1024xf32>
    %get3A_51 = arith.constant 0 : index
    %get3A_52 = arith.constant 0 : index
    %get3A_53 = vector.load %arg10[%get3A_51, %get3A_52] : memref<1x1024xf32, #tpu.memory_space<vmem>>, vector<1x1024xf32>
    %add3A_54 = vector.broadcast %get3A_53 : vector<1x1024xf32> to vector<2048x1024xf32>
    %add3A_55 = arith.addf %add3A_50, %add3A_54 : vector<2048x1024xf32>
    %max3A_56 = arith.constant 0.000000e+00 : f32
    %max3A_57 = vector.broadcast %max3A_56 : f32 to vector<2048x1024xf32>
    %max3A_58 = arith.maximumf %add3A_55, %max3A_57 : vector<2048x1024xf32>
    %get3A_59 = arith.constant 0 : index
    %get3A_60 = arith.constant 0 : index
    %get3A_61 = vector.load %arg11[%get3A_59, %get3A_60] : memref<1024x1xf32, #tpu.memory_space<vmem>>, vector<1024x1xf32>
    %dot_general3A_62 = arith.constant dense<0.000000e+00> : vector<2048x1xf32>
    %dot_general3A_63 = tpu.matmul %max3A_58, %get3A_61, %dot_general3A_62 {dimension_numbers = #tpu.dot_dimension_numbers<[1], [0], [0], [1], [0, 0, 1, 1], [], []>, transpose_lhs_hint = false} : vector<2048x1024xf32>, vector<1024x1xf32>, vector<2048x1xf32> -> vector<2048x1xf32>
    %get3A_64 = arith.constant 0 : index
    %get3A_65 = arith.constant 0 : index
    %get3A_66 = vector.load %arg12[%get3A_64, %get3A_65] : memref<1x1xf32, #tpu.memory_space<vmem>>, vector<1x1xf32>
    %add3A_67 = vector.broadcast %get3A_66 : vector<1x1xf32> to vector<2048x1xf32>
    %add3A_68 = arith.addf %dot_general3A_63, %add3A_67 : vector<2048x1xf32>
    %squeeze3A = vector.shape_cast %add3A_68 : vector<2048x1xf32> to vector<2048xf32>
    %swap3A = arith.constant 0 : index
    %swap3A_69 = vector.load %arg13[%swap3A] : memref<2048xf32, #tpu.memory_space<vmem>>, vector<2048xf32>
    tpu.vector_store %arg13[%swap3A], %squeeze3A {strides = array<i32>} : memref<2048xf32, #tpu.memory_space<vmem>>, vector<2048xf32>,
    return
  }
  func.func @transform_0(%arg0: i32) -> (i32, i32) {
    %c0_i32 = arith.constant 0 : i32
    %c0_i32_0 = arith.constant 0 : i32
    return %arg0, %c0_i32 : i32, i32
  }
  func.func @transform_1(%arg0: i32) -> (i32, i32) {
    %c0_i32 = arith.constant 0 : i32
    %c0_i32_0 = arith.constant 0 : i32
    return %arg0, %c0_i32 : i32, i32
  }
  func.func @transform_2(%arg0: i32) -> (i32, i32) {
    %c0_i32 = arith.constant 0 : i32
    %c0_i32_0 = arith.constant 0 : i32
    return %arg0, %c0_i32 : i32, i32
  }
  func.func @transform_3(%arg0: i32) -> (i32, i32) {
    %c0_i32 = arith.constant 0 : i32
    %c0_i32_0 = arith.constant 0 : i32
    return %arg0, %c0_i32 : i32, i32
  }
  func.func @transform_4(%arg0: i32) -> (i32, i32) {
    %c0_i32 = arith.constant 0 : i32
    %c0_i32_0 = arith.constant 0 : i32
    return %arg0, %c0_i32 : i32, i32
  }
  func.func @transform_5(%arg0: i32) -> (i32, i32) {
    %c0_i32 = arith.constant 0 : i32
    %c0_i32_0 = arith.constant 0 : i32
    return %arg0, %c0_i32 : i32, i32
  }
  func.func @transform_6(%arg0: i32) -> (i32, i32) {
    %c0_i32 = arith.constant 0 : i32
    %c0_i32_0 = arith.constant 0 : i32
    return %arg0, %c0_i32 : i32, i32
  }
  func.func @transform_7(%arg0: i32) -> (i32, i32) {
    %c0_i32 = arith.constant 0 : i32
    %c0_i32_0 = arith.constant 0 : i32
    %c0_i32_1 = arith.constant 0 : i32
    return %c0_i32, %c0_i32_0 : i32, i32
  }
  func.func @transform_8(%arg0: i32) -> (i32, i32) {
    %c0_i32 = arith.constant 0 : i32
    %c0_i32_0 = arith.constant 0 : i32
    %c0_i32_1 = arith.constant 0 : i32
    return %c0_i32, %c0_i32_0 : i32, i32
  }
  func.func @transform_9(%arg0: i32) -> (i32, i32) {
    %c0_i32 = arith.constant 0 : i32
    %c0_i32_0 = arith.constant 0 : i32
    %c0_i32_1 = arith.constant 0 : i32
    return %c0_i32, %c0_i32_0 : i32, i32
  }
  func.func @transform_10(%arg0: i32) -> (i32, i32) {
    %c0_i32 = arith.constant 0 : i32
    %c0_i32_0 = arith.constant 0 : i32
    %c0_i32_1 = arith.constant 0 : i32
    return %c0_i32, %c0_i32_0 : i32, i32
  }
  func.func @transform_11(%arg0: i32) -> (i32, i32) {
    %c0_i32 = arith.constant 0 : i32
    %c0_i32_0 = arith.constant 0 : i32
    %c0_i32_1 = arith.constant 0 : i32
    return %c0_i32, %c0_i32_0 : i32, i32
  }
  func.func @transform_12(%arg0: i32) -> i32 {
    %c0_i32 = arith.constant 0 : i32
    return %arg0 : i32
  }
}

</mosaic_0001>

<sc_bundles>
// kernel: kernel.4.cloned.1.call-start
scs
__scs_entry_jumppad:
0x0: {  	(pc) =	sbr.rel $0x88, $3  }
0x1: {  	(tag) =	ssettag $0x0;
	lr =	simm.s32 $0x1  }
0x2: {  	[smem:$0x3F92] =	sst lr;
	_ =	strace $0xD0000000  }
0x3: {  	_ = 	snop  }
0x4: {  	_ = 	snop  }
0x5: {  	_ = 	snop  }
0x6: {  	_ = 	snop  }
0x7: {  	_ = 	snop  }
__scs_overlays_trampoline_lowered:
0x8: {  	[smem:$0x3FA1] =	sst s0  }
0x9: {  	[smem:$0x3FA2] =	sst s1  }
0xa: {  	[smem:$0x3FA3] =	sst s2  }
0xb: {  	[smem:$0x3FA4] =	sst s3  }
0xc: {  	[smem:$0x3FA5] =	sst s4  }
0xd: {  	[smem:$0x3FA6] =	sst s5  }
0xe: {  	[smem:$0x3FA7] =	sst s6  }
0xf: {  	[smem:$0x3FA8] =	sst s7  }
0x10: {  	[smem:$0x3FA9] =	sst s8  }
0x11: {  	[smem:$0x3FAA] =	sst s9;
	s0 =	simm.s32 @!p0 $0x0  }
0x12: {  	s1 =	sld [smem:$0x3F90];
	s0 =	simm.s32 @p0 $0x1  }
0x13: {  	[smem:$0x3FAB] =	sst s0;
	s0 =	simm.s32 @!p1 $0x0  }
0x14: {  	s2 =	sld [smem:$0x3F8F];
	s0 =	simm.s32 @p1 $0x1  }
0x15: {  	[smem:$0x3FAC] =	sst s0;
	s0 =	simm.s32 @!p2 $0x0  }
0x16: {  	s3 =	sld [smem:$0x3FDB];
	s0 =	simm.s32 @p2 $0x1  }
0x17: {  	s4 =	simm.s32 $0x1BF5;
	[smem:$0x3FAE] =	sst s0  }
0x18: {  	s0 =	sld [smem:$0x3F91];
	_ =	swait.ge [sflag:s4], $0x0  }
0x19: {  	s7 =	sld [smem:$0x3F92]  }
0x1a: {  	s8 =	sadd.s32 $0xFFFFE003, lr  }
0x1b: {  	s9 =	sadd.s32 $0xFFFFFEF7, lr;
	s5 =	simm.s32 $0xFFFFFFFF;
	p2 =	slt.u32 s8, $0xFFFFF086  }
0x1c: {  	p1 =	slt.u32 s9, $0xF7A;
	s5 =	simm.s32 @!p2 $0x0  }
0x1d: {  	s5 =	simm.s32 @p1 $0x1;
	p0 =	seq.s32 s7, s2  }
0x1e: {  	s7 =	smul.u32 @!p0 $0xF7A, s2;
	p2 =	seq.s32 @!p0 s5, $0x0  }
0x1f: {  	s9 =	smul.u32 $0xF7A, s1;
	s8 =	simm.s32 @!p0 $0x1BF5;
	p2 =	por !p2, p0  }
0x20: {  	[sflag:s8] =	ssyncset.s32 @!p0 $0xFFFFF086;
	s6 =	sadd.s32 @!p0 s3, s7;
	s7 =	simm.s32 @!p0 $0x108  }
0x21: {  	s3 =	sadd.s32 s3, s9;
	s6 =	sadd.s32 @!p0 $0x88, s6;
	s7 =	simm.s32 @p2 $0x1082  }
0x22: {  	[simem:s7], [sflag:s8] =	dma.local @!p0 [hbm:s6], $0xF7A  }
0x23: {  	s9 =	sor.u32 $0xD0000000, s2;
	s6 =	simm.s32 $0x108;
	_ =	swait.ge @!p0 [sflag:s8], $0x0  }
0x24: {  	s3 =	sadd.s32 $0x88, s3;
	s6 =	simm.s32 @!p1 $0x1082;
	[sflag:s4] =	ssyncset.s32 $0xFFFFF086  }
0x25: {  	[simem:s6], [sflag:s4] =	dma.local [hbm:s3], $0xF7A  }
0x26: {  	[smem:$0x3F92] =	sst s1;
	(tag) =	ssettag s2;
	_ =	strace s9  }
0x27: {  	s1 =	sld [smem:$0x3FA2]  }
0x28: {  	s2 =	sld [smem:$0x3FA3]  }
0x29: {  	s4 =	sld [smem:$0x3FA5]  }
0x2a: {  	p0 =	seq.s32 s5, $0x0;
	s5 =	sld [smem:$0x3FA6]  }
0x2b: {  	s6 =	sld [smem:$0x3FA7]  }
0x2c: {  	s7 =	sld [smem:$0x3FA8]  }
0x2d: {  	s3 =	simm.s32 $0x108;
	s8 =	sld [smem:$0x3FA9]  }
0x2e: {  	s3 =	simm.s32 @!p0 $0x1082;
	s9 =	sld [smem:$0x3FAA]  }
0x2f: {  	lr =	sadd.s32 s0, s3;
	s0 =	sld [smem:$0x3FA1]  }
0x30: {  	s3 =	sld [smem:$0x3FA4]  }
0x31: {  	[smem:$0x3FAD] =	sst s10  }
0x32: {  	s10 =	sld [smem:$0x3FAB];
	_ =	sdelay $0x3  }
0x33: {  	p0 =	seq.s32 s10, $0x1;
	s10 =	sld [smem:$0x3FAD];
	_ =	sdelay $0x3  }
0x34: {  	[smem:$0x3FAD] =	sst s10  }
0x35: {  	s10 =	sld [smem:$0x3FAC];
	_ =	sdelay $0x3  }
0x36: {  	p1 =	seq.s32 s10, $0x1;
	s10 =	sld [smem:$0x3FAD];
	_ =	sdelay $0x3  }
0x37: {  	[smem:$0x3FAD] =	sst s10  }
0x38: {  	s10 =	sld [smem:$0x3FAE]  }
0x39: {  	_ = 	snop;
	(pc) =	sbr.ind lr, $3  }
0x3a: {  	_ = 	snop  }
0x3b: {  	_ = 	snop  }
0x3c: {  	p2 =	seq.s32 s10, $0x1;
	s10 =	sld [smem:$0x3FAD]  }
0x3d: {  	_ =	shalt  }
0x3e: {  	_ =	shalt  }
0x3f: {  	_ =	shalt  }
0x40: {  	_ =	shalt  }
0x41: {  	_ =	shalt  }
0x42: {  	_ =	shalt  }
0x43: {  	_ =	shalt  }
0x44: {  	_ =	shalt  }
0x45: {  	_ =	shalt  }
0x46: {  	_ =	shalt  }
0x47: {  	_ =	shalt  }
0x48: {  	_ =	shalt  }
0x49: {  	_ =	shalt  }
0x4a: {  	_ =	shalt  }
0x4b: {  	_ =	shalt  }
0x4c: {  	_ =	shalt  }
0x4d: {  	_ =	shalt  }
0x4e: {  	_ =	shalt  }
0x4f: {  	_ =	shalt  }
0x50: {  	_ =	shalt  }
0x51: {  	_ =	shalt  }
0x52: {  	_ =	shalt  }
0x53: {  	_ =	shalt  }
0x54: {  	_ =	shalt  }
0x55: {  	_ =	shalt  }
0x56: {  	_ =	shalt  }
0x57: {  	_ =	shalt  }
0x58: {  	_ =	shalt  }
0x59: {  	_ =	shalt  }
0x5a: {  	_ =	shalt  }
0x5b: {  	_ =	shalt  }
0x5c: {  	_ =	shalt  }
0x5d: {  	_ =	shalt  }
0x5e: {  	_ =	shalt  }
0x5f: {  	_ =	shalt  }
0x60: {  	_ =	shalt  }
0x61: {  	_ =	shalt  }
0x62: {  	_ =	shalt  }
0x63: {  	_ =	shalt  }
0x64: {  	_ =	shalt  }
0x65: {  	_ =	shalt  }
0x66: {  	_ =	shalt  }
0x67: {  	_ =	shalt  }
0x68: {  	_ =	shalt  }
0x69: {  	_ =	shalt  }
0x6a: {  	_ =	shalt  }
0x6b: {  	_ =	shalt  }
0x6c: {  	_ =	shalt  }
0x6d: {  	_ =	shalt  }
0x6e: {  	_ =	shalt  }
0x6f: {  	_ =	shalt  }
0x70: {  	_ =	shalt  }
0x71: {  	_ =	shalt  }
0x72: {  	_ =	shalt  }
0x73: {  	_ =	shalt  }
0x74: {  	_ =	shalt  }
0x75: {  	_ =	shalt  }
0x76: {  	_ =	shalt  }
0x77: {  	_ =	shalt  }
0x78: {  	_ =	shalt  }
0x79: {  	_ =	shalt  }
0x7a: {  	_ =	shalt  }
0x7b: {  	_ =	shalt  }
0x7c: {  	_ =	shalt  }
0x7d: {  	_ =	shalt  }
0x7e: {  	_ =	shalt  }
0x7f: {  	_ =	shalt  }
0x80: {  	_ =	shalt  }
0x81: {  	_ =	shalt  }
0x82: {  	_ =	shalt  }
0x83: {  	_ =	shalt  }
0x84: {  	_ =	shalt  }
0x85: {  	_ =	shalt  }
0x86: {  	_ =	shalt  }
0x87: {  	_ =	shalt  }
.Lfunc_end0:
.L_simem_size_0:
called_computation_lowered:
.L_overlay_start_0:
0x88: {  	s2 =	sld [smem:$0x3FD9]  }
0x89: {  	s3 =	sld [smem:$0x3FFE];
	_ =	sdelay $0x1  }
0x8a: {  	s1 =	srdreg.scid  }
0x8b: {  	s0 =	sand.u32 $0x1, s1  }
0x8c: {  	s17 =	sshll.u32 s0, $0xA;
	s2 =	sadd.s32 s3, s2  }
0x8d: {  	s2 =	sadd.s32 s2, s17  }
0x8e: {  	[smem:$0x3FB9] =	sst s2  }
0x8f: {  	_ = 	snop  }
0x90: {  	s2 =	sld [smem:$0x3FC5]  }
0x91: {  	s18 =	sld [smem:$0x3FC4]  }
0x92: {  	s4 =	sld [smem:$0x3FC2]  }
0x93: {  	s5 =	sld [smem:$0x3FC1]  }
0x94: {  	s6 =	sld [smem:$0x3FC0]  }
0x95: {  	s7 =	sld [smem:$0x3FBF];
	(tm) =	ssettm $0x1  }
0x96: {  	s8 =	sld [smem:$0x3FFB];
	_ =	sdelay $0x3  }
0x97: {  	_ =	strace s8  }
0x98: {  	s8 =	sld [smem:$0x3FFC];
	_ =	sdelay $0x3  }
0x99: {  	_ =	strace s8  }
0x9a: {  	s8 =	sld [smem:$0x3FFD];
	_ =	sdelay $0x3  }
0x9b: {  	_ =	strace s8  }
0x9c: {  	_ =	strace $0x8FFFFFFF  }
0x9d: {  	s19 =	sld [smem:$0x3FDB];
	_ =	sdelay $0x1  }
0x9e: {  	s9 =	simm.s32 $_scs_section_size  }
0x9f: {  	s10 =	simm.s32 $_size__tile_overlayer_lowered;
	s11 =	simm.s32 $_tile_overlayer_lowered  }
0xa0: {  	s22 =	simm.s32 $0x1BFF;
	s21 =	sshll.u32 s11, $0x1;
	s8 =	sadd.s32 s9, s19  }
0xa1: {  	s12 =	simm.s32 $0x0;
	s20 =	sshll.u32 s10, $0x1;
	s10 =	sadd.s32 s21, s8  }
0xa2: {  	[timem:s12], [sflag:s22] =	dma.local [hbm:s10], s20  }
0xa3: {  	_ =	swait.ge [sflag:s22], s20  }
0xa4: {  	s9 =	ssub.s32 $0x0, s20;
	[sflag:s22] =	ssyncset.done $0x0  }
0xa5: {  	[sflag:s22] =	ssyncadd.s32 s9;
	_ =	sdelay $0x1  }
0xa6: {  	s23 =	simm.s32 $0x1B8B  }
0xa7: {  	_ =	swait.ge [sflag:s23], $0x1  }
0xa8: {  	[sflag:s23] =	ssyncset.done $0x0  }
0xa9: {  	s25 =	simm.s32 $0x1B8E;
	s24 =	sld [smem:$0x3FFE];
	[sflag:s23] =	ssyncadd.s32 $0xFFFFFFFF  }
0xaa: {  	s26 =	simm.s32 $execute0_lowered;
	[smem:$0x3FD2] =	sst s25  }
0xab: {  	s10 =	sshll.u32 s26, $0x1;
	_ =	strace $0x80000046;
	[dreg:$0x1] =	wrdreg $0xFFFFFFFF  }
0xac: {  	s28 =	simm.s32 $_size_execute0_lowered;
	s8 =	sadd.s32 s8, s10;
	[dreg:$0x0] =	wrdreg $0x0  }
0xad: {  	s10 =	sshll.u32 s28, $0x1;
	[dreg:$0x2] =	wrdreg s8  }
0xae: {  	[dreg:$0x3] =	wrdreg s10  }
0xaf: {  	[dreg:$0x4] =	wrdreg $0xC0  }
0xb0: {  	_ =	task [dreg:s12], $0x5FFFF  }
0xb1: {  	[dreg:$0x1] =	wrdreg $0xFFFFFFFF  }
0xb2: {  	[dreg:$0x0] =	wrdreg $0x60  }
0xb3: {  	[dreg:$0x2] =	wrdreg s24  }
0xb4: {  	[dreg:$0x3] =	wrdreg s2  }
0xb5: {  	[dreg:$0x4] =	wrdreg s18  }
0xb6: {  	[dreg:$0x5] =	wrdreg s4  }
0xb7: {  	[dreg:$0x6] =	wrdreg s5  }
0xb8: {  	[dreg:$0x7] =	wrdreg s6  }
0xb9: {  	[dreg:$0x8] =	wrdreg s7  }
0xba: {  	[dreg:$0x9] =	wrdreg $0x9  }
0xbb: {  	_ =	task.clear_ibuf [dreg:s12], $0xAFFFF;
	_ =	strace $0x90000046  }
0xbc: {  	s29 =	simm.s32 $0x9;
	_ =	strace $0x80000048  }
0xbd: {  	_ =	swait.ge [sflag:s29], $0x1  }
0xbe: {  	[sflag:s29] =	ssyncadd.s32 $0xFFFFFFFF  }
0xbf: {  	_ =	strace $0x90000048  }
0xc0: {  	_ =	sfence  }
0xc1: {  	s30 =	sld [smem:$0x0];
	_ =	sdelay $0x2  }
0xc2: {  	s31 =	sshll.u32 s1, $0xD;
	s1 =	sshrl.u32 s1, $0x2  }
0xc3: {  	s3 =	sand.u32 $0x4000, s31;
	s1 =	sadd.s32 s1, s30  }
0xc4: {  	s0 =	sor.u32 s3, s0;
	s1 =	sshll.u32 s1, $0x11  }
0xc5: {  	s0 =	sor.u32 s1, s0  }
0xc6: {  	s0 =	sadd.s32 $0x8F2B, s0  }
0xc7: {  	[sflag:s0] =	ssyncadd.remote.s32 $0x1  }
0xc8: {  	_ =	sfence.sel $0xFFFF  }
0xc9: {  	[dreg:$0x0] =	wrdreg $0xFFFFFFFF;
	(pc) =	sbr.abs _section_cstart, $3  }
0xca: {  	[dreg:$0x1] =	wrdreg $0xFFFFFFFF  }
0xcb: {  	_ =	task.clear_ibuf [dreg:s12], $0x2FFFF;
	_ =	strace $0x9FFFFFFF  }
0xcc: {  	(tm) =	ssettm $0x7FFFFFFF  }
0xcd: {  	_ =	shalt  }
tec
execute0_lowered:
.L_overlay_start_1:
0x0: {  	(tag) =	ssettag $0x1  }
0x1: {  	s0 =	rddreg [dreg:$0x0]  }
0x2: {  	s3 =	rddreg [dreg:$0x1]  }
0x3: {  	s4 =	rddreg [dreg:$0x2]  }
0x4: {  	s1 =	rddreg [dreg:$0x3]  }
0x5: {  	s2 =	rddreg [dreg:$0x4]  }
0x6: {  	s5 =	srdreg.scid;
	s6 =	stileid.u32  }
0x7: {  	s16 =	simm.s32 $0x2800;
	s17 =	simm.s32 $0x2880;
	s18 =	simm.s32 $0x1C00  }
0x8: {  	s19 =	simm.s32 $0x5;
	s20 =	simm.s32 $0x80;
	s21 =	simm.s32 $0xA900  }
0x9: {  	s22 =	simm.s32 $0xE900;
	s23 =	simm.s32 $0x2900;
	s24 =	simm.s32 $0x6900  }
0xa: {  	s25 =	simm.s32 $0x4;
	s5 =	sand.u32 $0x1, s5;
	s6 =	sshll.u32 s6, $0x1  }
0xb: {  	s28 =	simm.s32 $0x2;
	s29 =	simm.s32 $0x6;
	s7 =	sor.u32 s5, s6  }
0xc: {  	s30 =	simm.s32 $0x0;
	s6 =	simm.s32 $0x0;
	s8 =	smul.u32 $0x380, s7  }
0xd: {  	s5 =	ssub.s32 $0x2, s5;
	[smem:$0x7FF] =	sst s6;
	s9 =	smul.u32 $0x180, s7  }
0xe: {  	s26 =	sshll.u32 s7, $0xB;
	s31 =	sshrl.u32 s5, $0x1;
	s12 =	sshll.u32 s7, $0x4  }
0xf: {  	_ =	strace $0x80000047;
	s5 =	ssub.s32 s5, s31;
	s7 =	sadd.s32 s3, s12  }
0x10: {  	s10 =	sadd.s32 s8, s0;
	s11 =	sadd.s32 s9, s0;
	s0 =	sadd.s32 s26, s0  }
0x11: {  	s8 =	sadd.s32 s4, s12;
	s15 =	smax.u32 s5, $0x1;
	s4 =	simm.s32 $0x2580  }
0x12: {  	s5 =	simm.s32 $0x3;
	s26 =	simm.s32 $0x1;
	s9 =	sadd.s32 $0x1C00, s10  }
0x13: {  	s10 =	sadd.s32 $0x8C00, s11;
	s11 =	sadd.s32 $0x2BC00, s0;
	s12 =	sadd.s32 $0x3BC00, s0  }
0x14: {  	v0 =	vimm.f32 $0.0e+00;
	s13 =	sadd.s32 $0xBC00, s0;
	s14 =	sadd.s32 $0x1BC00, s0;
	s0 =	simm.s32 $0x2500  }
.LBB2_1:
0x15: {  	[tilespmem:s16], [sflag:$0x5] =	stream.linear.gather [hbm4b:s7+s6], $0x80, $0x38;
	[tilespmem:$0x12900] =	vst v63  }
0x16: {  	_ = 	snop  }
0x17: {  	[tilespmem:s17], [sflag:$0x5] =	stream.linear.gather [hbm4b:s8+s6], $0x80, $0x38;
	[tilespmem:$0x12900] =	vst v63  }
0x18: {  	_ = 	snop  }
0x19: {  	[tilespmem:s6], [sflag:$0x5] =	stream.linear.gather [hbm4b:s9+s6], $0x1900, $0x38;
	[tilespmem:$0x12900] =	vst v63  }
0x1a: {  	s31 =	simm.s32 $0x0;
	s3 =	simm.s32 $0x200  }
0x1b: {  	[tilespmem:s18], [sflag:$0x5] =	stream.linear.gather [hbm4b:s10+s6], $0xA00, $0x38;
	[tilespmem:$0x12900] =	vst v63  }
.LBB2_2:
0x1c: {  	p0 =	sne.s32 s3, $0xFE00;
	[tilespmem:s31+$0x6970] =	vst v0  }
0x1d: {  	[tilespmem:s31+$0x2900] =	vst v0  }
0x1e: {  	[tilespmem:s31+$0x6900] =	vst v0  }
0x1f: {  	[tilespmem:s31+$0x2910] =	vst v0  }
0x20: {  	[tilespmem:s31+$0x6910] =	vst v0  }
0x21: {  	[tilespmem:s31+$0x2920] =	vst v0  }
0x22: {  	[tilespmem:s31+$0x6920] =	vst v0  }
0x23: {  	[tilespmem:s31+$0x2930] =	vst v0  }
0x24: {  	[tilespmem:s31+$0x6930] =	vst v0  }
0x25: {  	[tilespmem:s31+$0x2940] =	vst v0  }
0x26: {  	[tilespmem:s31+$0x6940] =	vst v0  }
.Ltmp0:
0x27: {  	[tilespmem:s31+$0x2950] =	vst v0;
	(pc) =	sbr.rel @p0 .LBB2_2-.Ltmp0, $4  }
0x28: {  	[tilespmem:s31+$0x6950] =	vst v0  }
0x29: {  	[tilespmem:s31+$0x2960] =	vst v0  }
0x2a: {  	[tilespmem:s31+$0x6960] =	vst v0  }
0x2b: {  	[tilespmem:s31+$0x2970] =	vst v0;
	s31 =	sshra.s32 s3, $0x2;
	s3 =	sadd.s32 $0x200, s3  }
0x2c: {  	[tilespmem:s31+$0x6970] =	vst v0  }
0x2d: {  	[tilespmem:s31+$0x2900] =	vst v0  }
0x2e: {  	[tilespmem:s31+$0x6900] =	vst v0  }
0x2f: {  	[tilespmem:s31+$0x2910] =	vst v0  }
0x30: {  	[tilespmem:s31+$0x6910] =	vst v0  }
0x31: {  	[tilespmem:s31+$0x2920] =	vst v0  }
0x32: {  	[tilespmem:s31+$0x6920] =	vst v0  }
0x33: {  	[tilespmem:s31+$0x2930] =	vst v0  }
0x34: {  	[tilespmem:s31+$0x6930] =	vst v0  }
0x35: {  	[tilespmem:s31+$0x2940] =	vst v0  }
0x36: {  	[tilespmem:s31+$0x6940] =	vst v0  }
0x37: {  	[tilespmem:s31+$0x2950] =	vst v0  }
0x38: {  	[tilespmem:s31+$0x6950] =	vst v0  }
0x39: {  	[tilespmem:s31+$0x2960] =	vst v0  }
0x3a: {  	[tilespmem:s31+$0x6960] =	vst v0  }
0x3b: {  	[tilespmem:s31+$0x2970] =	vst v0  }
0x3c: {  	_ =	swait.ge [sflag:s19], $0x80  }
0x3d: {  	[sflag:s19] =	ssyncset.done $0x0  }
0x3e: {  	[sflag:s19] =	ssyncadd.s32 $0xFFFFFF80  }
0x3f: {  	s3 =	rddreg [dreg:$0x5]  }
0x40: {  	[tilespmem:s21], [sflag:$0x3] =	stream.indirect.gather [hbm4b:s3+s20], $0x80, s16, s20, $0xb8;
	[tilespmem:$0x12900] =	vst v63  }
0x41: {  	_ =	swait.ge [sflag:s19], $0x80  }
0x42: {  	[sflag:s19] =	ssyncset.done $0x0  }
0x43: {  	[sflag:s19] =	ssyncadd.s32 $0xFFFFFF80  }
0x44: {  	s3 =	rddreg [dreg:$0x6]  }
0x45: {  	[tilespmem:s22], [sflag:$0x4] =	stream.indirect.gather [hbm4b:s3+s20], $0x80, s17, s20, $0xb8;
	[tilespmem:$0x12900] =	vst v63  }
0x46: {  	_ =	swait.ge [sflag:s19], $0x1900  }
0x47: {  	[sflag:s19] =	ssyncset.done $0x0  }
0x48: {  	s31 =	simm.s32 $0x0;
	s3 =	simm.s32 $0x200;
	[sflag:s19] =	ssyncadd.s32 $0xFFFFE700  }
.LBB2_4:
0x49: {  	[tilespmem:s23], [sflag:$0x1] =	stream.indirect.gather.add.f32 [hbm:s1], $0x80, s31, s20, $0xb8;
	[tilespmem:$0x12900] =	vst v63  }
0x4a: {  	s31 =	smov.u32 s3;
	p0 =	sne.s32 s3, $0x6200  }
.Ltmp1:
0x4b: {  	s3 =	sadd.s32 $0x200, s3;
	(pc) =	sbr.rel @p0 .LBB2_4-.Ltmp1, $2  }
0x4c: {  	_ =	sdelay $0x2  }
0x4d: {  	s31 =	sshra.s32 s31, $0x2  }
0x4e: {  	[tilespmem:s23], [sflag:$0x1] =	stream.indirect.gather.add.f32 [hbm:s1], $0x80, s31, s20, $0xb8;
	[tilespmem:$0x12900] =	vst v63  }
0x4f: {  	_ =	swait.ge [sflag:s19], $0xA00  }
0x50: {  	[sflag:s19] =	ssyncset.done $0x0  }
0x51: {  	[sflag:s19] =	ssyncadd.s32 $0xFFFFF600  }
0x52: {  	[tilespmem:s24], [sflag:$0x2] =	stream.indirect.gather.add.f32 [hbm:s2], $0x80, s18, s20, $0xb8;
	[tilespmem:$0x12900] =	vst v63  }
0x53: {  	s3 =	simm.s32 $0x1C80  }
0x54: {  	[tilespmem:s24], [sflag:$0x2] =	stream.indirect.gather.add.f32 [hbm:s2], $0x80, s3, s20, $0xb8;
	[tilespmem:$0x12900] =	vst v63  }
0x55: {  	s31 =	simm.s32 $0x1D00  }
0x56: {  	[tilespmem:s24], [sflag:$0x2] =	stream.indirect.gather.add.f32 [hbm:s2], $0x80, s31, s20, $0xb8;
	[tilespmem:$0x12900] =	vst v63  }
0x57: {  	s31 =	simm.s32 $0x1D80  }
0x58: {  	[tilespmem:s24], [sflag:$0x2] =	stream.indirect.gather.add.f32 [hbm:s2], $0x80, s31, s20, $0xb8;
	[tilespmem:$0x12900] =	vst v63  }
0x59: {  	s31 =	simm.s32 $0x1E00  }
0x5a: {  	[tilespmem:s24], [sflag:$0x2] =	stream.indirect.gather.add.f32 [hbm:s2], $0x80, s31, s20, $0xb8;
	[tilespmem:$0x12900] =	vst v63  }
0x5b: {  	s31 =	simm.s32 $0x1E80  }
0x5c: {  	[tilespmem:s24], [sflag:$0x2] =	stream.indirect.gather.add.f32 [hbm:s2], $0x80, s31, s20, $0xb8;
	[tilespmem:$0x12900] =	vst v63  }
0x5d: {  	s31 =	simm.s32 $0x1F00  }
0x5e: {  	[tilespmem:s24], [sflag:$0x2] =	stream.indirect.gather.add.f32 [hbm:s2], $0x80, s31, s20, $0xb8;
	[tilespmem:$0x12900] =	vst v63  }
0x5f: {  	s31 =	simm.s32 $0x1F80  }
0x60: {  	[tilespmem:s24], [sflag:$0x2] =	stream.indirect.gather.add.f32 [hbm:s2], $0x80, s31, s20, $0xb8;
	[tilespmem:$0x12900] =	vst v63  }
0x61: {  	s31 =	simm.s32 $0x2000  }
0x62: {  	[tilespmem:s24], [sflag:$0x2] =	stream.indirect.gather.add.f32 [hbm:s2], $0x80, s31, s20, $0xb8;
	[tilespmem:$0x12900] =	vst v63  }
0x63: {  	s31 =	simm.s32 $0x2080  }
0x64: {  	[tilespmem:s24], [sflag:$0x2] =	stream.indirect.gather.add.f32 [hbm:s2], $0x80, s31, s20, $0xb8;
	[tilespmem:$0x12900] =	vst v63  }
0x65: {  	s31 =	simm.s32 $0x2100  }
0x66: {  	[tilespmem:s24], [sflag:$0x2] =	stream.indirect.gather.add.f32 [hbm:s2], $0x80, s31, s20, $0xb8;
	[tilespmem:$0x12900] =	vst v63  }
0x67: {  	s31 =	simm.s32 $0x2180  }
0x68: {  	[tilespmem:s24], [sflag:$0x2] =	stream.indirect.gather.add.f32 [hbm:s2], $0x80, s31, s20, $0xb8;
	[tilespmem:$0x12900] =	vst v63  }
0x69: {  	s31 =	simm.s32 $0x2200  }
0x6a: {  	[tilespmem:s24], [sflag:$0x2] =	stream.indirect.gather.add.f32 [hbm:s2], $0x80, s31, s20, $0xb8;
	[tilespmem:$0x12900] =	vst v63  }
0x6b: {  	s31 =	simm.s32 $0x2280  }
0x6c: {  	[tilespmem:s24], [sflag:$0x2] =	stream.indirect.gather.add.f32 [hbm:s2], $0x80, s31, s20, $0xb8;
	[tilespmem:$0x12900] =	vst v63  }
0x6d: {  	s31 =	simm.s32 $0x2300  }
0x6e: {  	[tilespmem:s24], [sflag:$0x2] =	stream.indirect.gather.add.f32 [hbm:s2], $0x80, s31, s20, $0xb8;
	[tilespmem:$0x12900] =	vst v63  }
0x6f: {  	s31 =	simm.s32 $0x2380  }
0x70: {  	[tilespmem:s24], [sflag:$0x2] =	stream.indirect.gather.add.f32 [hbm:s2], $0x80, s31, s20, $0xb8;
	[tilespmem:$0x12900] =	vst v63  }
0x71: {  	s31 =	simm.s32 $0x2400  }
0x72: {  	[tilespmem:s24], [sflag:$0x2] =	stream.indirect.gather.add.f32 [hbm:s2], $0x80, s31, s20, $0xb8;
	[tilespmem:$0x12900] =	vst v63  }
0x73: {  	s31 =	simm.s32 $0x2480  }
0x74: {  	[tilespmem:s24], [sflag:$0x2] =	stream.indirect.gather.add.f32 [hbm:s2], $0x80, s31, s20, $0xb8;
	[tilespmem:$0x12900] =	vst v63  }
0x75: {  	_ = 	snop  }
0x76: {  	[tilespmem:s24], [sflag:$0x2] =	stream.indirect.gather.add.f32 [hbm:s2], $0x80, s0, s20, $0xb8;
	[tilespmem:$0x12900] =	vst v63  }
0x77: {  	_ = 	snop  }
0x78: {  	[tilespmem:s24], [sflag:$0x2] =	stream.indirect.gather.add.f32 [hbm:s2], $0x80, s4, s20, $0xb8;
	[tilespmem:$0x12900] =	vst v63  }
0x79: {  	_ =	swait.ge [sflag:s5], $0x4000  }
0x7a: {  	[sflag:s5] =	ssyncset.done $0x0  }
0x7b: {  	[sflag:s5] =	ssyncadd.s32 $0xFFFFC000  }
0x7c: {  	[hbm4b:s11+s6] =	stream.linear.scatter [tilespmem:s21], [sflag:$0x6], $0x4000, $0x38;
	[tilespmem:$0x12900] =	vst v63  }
0x7d: {  	_ =	swait.ge [sflag:s25], $0x4000  }
0x7e: {  	[sflag:s25] =	ssyncset.done $0x0  }
0x7f: {  	[sflag:s25] =	ssyncadd.s32 $0xFFFFC000  }
0x80: {  	[hbm4b:s12+s6] =	stream.linear.scatter [tilespmem:s22], [sflag:$0x6], $0x4000, $0x38;
	[tilespmem:$0x12900] =	vst v63  }
0x81: {  	_ =	swait.ge [sflag:s26], $0x4000  }
0x82: {  	s3 =	simm.s32 $0x31;
	[sflag:s26] =	ssyncset.done $0x0  }
.LBB2_6:
0x83: {  	p0 =	sne.s32 s3, $0x1;
	s3 =	sadd.s32 $0xFFFFFFFF, s3;
	[sflag:s26] =	ssyncadd.s32 $0xFFFFC000  }
.Ltmp2:
0x84: {  	(pc) =	sbr.rel @p0 .LBB2_6-.Ltmp2, $3  }
0x85: {  	_ =	sdelay $0x1  }
0x86: {  	_ =	swait.ge [sflag:s26], $0x4000  }
0x87: {  	[sflag:s26] =	ssyncset.done $0x0  }
0x88: {  	[sflag:s26] =	ssyncadd.s32 $0xFFFFC000  }
0x89: {  	[hbm4b:s13+s6] =	stream.linear.scatter [tilespmem:s23], [sflag:$0x6], $0x4000, $0x38;
	[tilespmem:$0x12900] =	vst v63  }
0x8a: {  	_ =	swait.ge [sflag:s28], $0x4000  }
0x8b: {  	[sflag:s28] =	ssyncset.done $0x0  }
0x8c: {  	[sflag:s28] =	ssyncadd.s32 $0xFFFFC000  }
0x8d: {  	_ =	swait.ge [sflag:s28], $0x4000  }
0x8e: {  	[sflag:s28] =	ssyncset.done $0x0  }
0x8f: {  	[sflag:s28] =	ssyncadd.s32 $0xFFFFC000  }
0x90: {  	_ =	swait.ge [sflag:s28], $0x4000  }
0x91: {  	[sflag:s28] =	ssyncset.done $0x0  }
0x92: {  	[sflag:s28] =	ssyncadd.s32 $0xFFFFC000  }
0x93: {  	_ =	swait.ge [sflag:s28], $0x4000  }
0x94: {  	[sflag:s28] =	ssyncset.done $0x0  }
0x95: {  	[sflag:s28] =	ssyncadd.s32 $0xFFFFC000  }
0x96: {  	_ =	swait.ge [sflag:s28], $0x4000  }
0x97: {  	[sflag:s28] =	ssyncset.done $0x0  }
0x98: {  	[sflag:s28] =	ssyncadd.s32 $0xFFFFC000  }
0x99: {  	_ =	swait.ge [sflag:s28], $0x4000  }
0x9a: {  	[sflag:s28] =	ssyncset.done $0x0  }
0x9b: {  	[sflag:s28] =	ssyncadd.s32 $0xFFFFC000  }
0x9c: {  	_ =	swait.ge [sflag:s28], $0x4000  }
0x9d: {  	[sflag:s28] =	ssyncset.done $0x0  }
0x9e: {  	[sflag:s28] =	ssyncadd.s32 $0xFFFFC000  }
0x9f: {  	_ =	swait.ge [sflag:s28], $0x4000  }
0xa0: {  	[sflag:s28] =	ssyncset.done $0x0  }
0xa1: {  	[sflag:s28] =	ssyncadd.s32 $0xFFFFC000  }
0xa2: {  	_ =	swait.ge [sflag:s28], $0x4000  }
0xa3: {  	[sflag:s28] =	ssyncset.done $0x0  }
0xa4: {  	[sflag:s28] =	ssyncadd.s32 $0xFFFFC000  }
0xa5: {  	_ =	swait.ge [sflag:s28], $0x4000  }
0xa6: {  	[sflag:s28] =	ssyncset.done $0x0  }
0xa7: {  	[sflag:s28] =	ssyncadd.s32 $0xFFFFC000  }
0xa8: {  	_ =	swait.ge [sflag:s28], $0x4000  }
0xa9: {  	[sflag:s28] =	ssyncset.done $0x0  }
0xaa: {  	[sflag:s28] =	ssyncadd.s32 $0xFFFFC000  }
0xab: {  	_ =	swait.ge [sflag:s28], $0x4000  }
0xac: {  	[sflag:s28] =	ssyncset.done $0x0  }
0xad: {  	[sflag:s28] =	ssyncadd.s32 $0xFFFFC000  }
0xae: {  	_ =	swait.ge [sflag:s28], $0x4000  }
0xaf: {  	[sflag:s28] =	ssyncset.done $0x0  }
0xb0: {  	[sflag:s28] =	ssyncadd.s32 $0xFFFFC000  }
0xb1: {  	_ =	swait.ge [sflag:s28], $0x4000  }
0xb2: {  	[sflag:s28] =	ssyncset.done $0x0  }
0xb3: {  	[sflag:s28] =	ssyncadd.s32 $0xFFFFC000  }
0xb4: {  	_ =	swait.ge [sflag:s28], $0x4000  }
0xb5: {  	[sflag:s28] =	ssyncset.done $0x0  }
0xb6: {  	[sflag:s28] =	ssyncadd.s32 $0xFFFFC000  }
0xb7: {  	_ =	swait.ge [sflag:s28], $0x4000  }
0xb8: {  	[sflag:s28] =	ssyncset.done $0x0  }
0xb9: {  	[sflag:s28] =	ssyncadd.s32 $0xFFFFC000  }
0xba: {  	_ =	swait.ge [sflag:s28], $0x4000  }
0xbb: {  	[sflag:s28] =	ssyncset.done $0x0  }
0xbc: {  	[sflag:s28] =	ssyncadd.s32 $0xFFFFC000  }
0xbd: {  	_ =	swait.ge [sflag:s28], $0x4000  }
0xbe: {  	[sflag:s28] =	ssyncset.done $0x0  }
0xbf: {  	[sflag:s28] =	ssyncadd.s32 $0xFFFFC000  }
0xc0: {  	_ =	swait.ge [sflag:s28], $0x4000  }
0xc1: {  	[sflag:s28] =	ssyncset.done $0x0  }
0xc2: {  	[sflag:s28] =	ssyncadd.s32 $0xFFFFC000  }
0xc3: {  	_ =	swait.ge [sflag:s28], $0x4000  }
0xc4: {  	[sflag:s28] =	ssyncset.done $0x0  }
0xc5: {  	[sflag:s28] =	ssyncadd.s32 $0xFFFFC000  }
0xc6: {  	[hbm4b:s14+s6] =	stream.linear.scatter [tilespmem:s24], [sflag:$0x6], $0x4000, $0x38;
	[tilespmem:$0x12900] =	vst v63  }
0xc7: {  	_ =	swait.ge [sflag:s29], $0x4000  }
0xc8: {  	[sflag:s29] =	ssyncset.done $0x0  }
0xc9: {  	[sflag:s29] =	ssyncadd.s32 $0xFFFFC000  }
0xca: {  	_ =	swait.ge [sflag:s29], $0x4000  }
0xcb: {  	[sflag:s29] =	ssyncset.done $0x0  }
0xcc: {  	s30 =	sadd.s32 $0x1, s30;
	[sflag:s29] =	ssyncadd.s32 $0xFFFFC000  }
0xcd: {  	p0 =	sne.s32 s30, s15;
	_ =	swait.ge [sflag:s29], $0x4000  }
.Ltmp3:
0xce: {  	[sflag:s29] =	ssyncset.done $0x0;
	(pc) =	sbr.rel @p0 .LBB2_1-.Ltmp3, $4  }
0xcf: {  	[sflag:s29] =	ssyncadd.s32 $0xFFFFC000  }
0xd0: {  	_ =	swait.ge [sflag:s29], $0x4000  }
0xd1: {  	[sflag:s29] =	ssyncset.done $0x0  }
0xd2: {  	[sflag:s29] =	ssyncadd.s32 $0xFFFFC000  }
0xd3: {  	_ =	sfence.sel $0x180000  }
0xd4: {  	[bflag:$0x0] =	sbarrier.arrive $0xFFFF  }
0xd5: {  	_ =	strace $0x90000047  }
0xd6: {  	s0 =	stileid.u32;
	[bflag:$0x2] =	sbarrier.arrive $0xFFFF  }
0xd7: {  	p0 =	sne.s32 s0, $0x0;
	s0 =	rddreg [dreg:$0x7]  }
0xd8: {  	s0 =	sadd.s32 @!p0 $0x100000, s0  }
0xd9: {  	[sflag:s0] =	ssyncadd.tile.s32 @!p0 $0x1;
	_ =	shalt  }
.Lfunc_end2:
_tile_overlayer_lowered:
.L_overlay_start_2:
0xda: {  	(tag) =	ssettag $0x2  }
0xdb: {  	s0 =	rddreg [dreg:$0x0];
	s2 =	stileid.u32  }
0xdc: {  	s1 =	rddreg [dreg:$0x1];
	p0 =	sne.s32 s2, $0x0  }
0xdd: {  	s3 =	rddreg [dreg:$0x2];
	[bflag:$0x3] =	sbarrier.arrive $0xFFFF;
	s2 =	simm.s32 @!p0 $0x1C07  }
0xde: {  	[timem:s3], [sflag:s2] =	dma.local @!p0 [hbm:s0], s1  }
0xdf: {  	s0 =	simm.s32 @!p0 $0x7  }
0xe0: {  	_ =	swait.ge @!p0 [sflag:s0], s1  }
0xe1: {  	s1 =	ssub.s32 @!p0 $0x0, s1;
	[sflag:s0] =	ssyncset.done @!p0 $0x0  }
0xe2: {  	[sflag:s0] =	ssyncadd.s32 @!p0 s1  }
0xe3: {  	[bflag:$0x3] =	sbarrier.arrive $0xFFFF  }
0xe4: {  	_ =	shalt  }

</sc_bundles>
